<compile_context>
chip_gen: v7x
topology: tpu7x:2x2x1
jax: 0.10.2.dev20260603
libtpu: 0.0.44.dev20260713+nightly
codegen_flags: <defaults>
</compile_context>

<pallas_src>
import functools

import jax
import jax.numpy as jnp
from jax import lax
from jax.experimental import pallas as pl
from jax.experimental.pallas import tpu as pltpu
from jax.experimental.pallas import tpu_sc as plsc

N_VOCAB = 1000000
N_EMB = 64
NC = 2
NS = 16
NW = NC * NS
CHUNK = 128


NBUF = 8


def _gather_body(idx_hbm, emb_hbm, out_hbm, idx_v, rows_v, gsem):
    k = idx_hbm.shape[1]
    wid = lax.axis_index("s") * NC + lax.axis_index("c")
    pltpu.sync_copy(idx_hbm.at[wid], idx_v)

    for b in range(NBUF):
        pltpu.async_copy(emb_hbm.at[idx_v.at[b]], rows_v.at[b], gsem.at[b])

    @pl.loop(0, k, step=NBUF)
    def _(j):
        for b in range(NBUF):
            g = j + b
            pltpu.make_async_copy(
                emb_hbm.at[idx_v.at[b]], rows_v.at[b], gsem.at[b]
            ).wait()
            pltpu.sync_copy(rows_v.at[b], out_hbm.at[wid, g])

            @pl.when(g + NBUF < k)
            def _():
                pltpu.async_copy(
                    emb_hbm.at[idx_v.at[g + NBUF]], rows_v.at[b], gsem.at[b]
                )


def kernel(xs, emb):
    b, s = xs.shape
    n = b * s
    assert n % (NW * CHUNK) == 0
    k = n // (NW * CHUNK)
    idx = xs.reshape(NW, k, CHUNK)

    mesh = plsc.VectorSubcoreMesh(
        core_axis_name="c", subcore_axis_name="s", num_cores=NC
    )
    run = functools.partial(
        pl.kernel,
        out_type=jax.ShapeDtypeStruct((NW, k, CHUNK, N_EMB), jnp.float32),
        mesh=mesh,
        scratch_types=[
            pltpu.VMEM((k, CHUNK), jnp.int32),
            pltpu.VMEM((NBUF, CHUNK, N_EMB), jnp.float32),
            pltpu.SemaphoreType.DMA((NBUF,)),
        ],
        compiler_params=pltpu.CompilerParams(use_tc_tiling_on_sc=False),
    )(_gather_body)
    out = run(idx, emb)
    return out.reshape(b, s, N_EMB)

# --- scband reference (transcript-rebuilt; emitter-appended) ---
"""Pipeline reference for scband-bigram-16097537425448 (READ-ONLY COPY).

The authoritative reference and input builder live on the scoring server;
editing this copy changes nothing except your own understanding.
"""

import jax, jax.numpy as jnp
import numpy as np

N_VOCAB = 1000000
N_EMB = 64
BATCH = 4096
SEQ = 200

def setup_inputs(seed: int = 0) -> dict:
    key = jax.random.key(seed)
    k_idx, k_emb = jax.random.split(key)
    xs = jax.random.randint(k_idx, (BATCH, SEQ), 0, N_VOCAB, dtype=jnp.int32)
    # nnx.Embed default init: variance_scaling(1.0, 'fan_in', 'normal', out_axis=0)
    # -> stddev = 1/sqrt(features)
    emb = jax.random.normal(k_emb, (N_VOCAB, N_EMB), dtype=jnp.float32) / jnp.sqrt(N_EMB)
    return {"xs": xs, "emb": emb}

def reference(xs, emb):
    # Bigram.__call__: return self.emb(xs) -> embedding gather
    return jnp.take(emb, xs, axis=0)

if __name__ == "__main__":
    import jax
    _d = setup_inputs()
    print(jax.jit(kernel)(*tuple(_d.values())))

</pallas_src>

<mosaic_0001>
#map = affine_map<(d0, d1) -> (0, 0, 0)>
#map1 = affine_map<(d0, d1) -> (0, 0)>
#map2 = affine_map<(d0, d1) -> (0, 0, 0, 0)>
module attributes {stable_mosaic.version = 14 : i64} {
  func.func @_gather_body(%arg0: i32, %arg1: i32, %arg2: memref<32x200x128xi32, #tpu.memory_space<hbm>>, %arg3: memref<1000000x64xf32, #tpu.memory_space<hbm>>, %arg4: memref<32x200x128x64xf32, #tpu.memory_space<hbm>>, %arg5: memref<200x128xi32, #tpu.memory_space<vmem>>, %arg6: memref<8x128x64xf32, #tpu.memory_space<vmem>>, %arg7: memref<8x!tpu.dma_semaphore, #tpu.memory_space<semaphore_mem>>) attributes {dimension_semantics = [#tpu.dimension_semantics<core_parallel>, #tpu.dimension_semantics<subcore_parallel>], iteration_bounds = array<i64: 2, 16>, scalar_prefetch = 0 : i64, scratch_operands = 3 : i64, tpu.core_type = #tpu.core_type<sc_vector_subcore>, window_params = [{transform_indices = #map}, {transform_indices = #map1}, {transform_indices = #map2}]} {
    %mul3A = arith.constant 2 : i32
    %mul3A_0 = arith.muli %arg1, %mul3A : i32
    %add3A = arith.addi %mul3A_0, %arg0 : i32
    "tpu.region"() ({
      %run_scoped3A = tpu.sem_alloc : memref<!tpu.dma_semaphore, #tpu.memory_space<semaphore_mem>>
      %dma_start3A_124 = arith.constant 0 : i32
      %dma_start3A_125 = arith.constant 0 : i32
      %dma_start3A_126 = tpu.memref_slice %arg2[%add3A, %dma_start3A_124, %dma_start3A_125] : memref<32x200x128xi32, #tpu.memory_space<hbm>> -> memref<1x200x128xi32, #tpu.memory_space<hbm>>
      %dma_start3A_127 = tpu.memref_squeeze %dma_start3A_126 : memref<1x200x128xi32, #tpu.memory_space<hbm>> -> memref<200x128xi32, #tpu.memory_space<hbm>>
      %dma_start3A_128 = arith.constant 0 : i32
      %dma_start3A_129 = arith.constant 0 : i32
      %dma_start3A_130 = tpu.memref_slice %arg2[%add3A, %dma_start3A_128, %dma_start3A_129] : memref<32x200x128xi32, #tpu.memory_space<hbm>> -> memref<1x200x128xi32, #tpu.memory_space<hbm>>
      %dma_start3A_131 = tpu.memref_squeeze %dma_start3A_130 : memref<1x200x128xi32, #tpu.memory_space<hbm>> -> memref<200x128xi32, #tpu.memory_space<hbm>>
      tpu.enqueue_dma source(%dma_start3A_131 : memref<200x128xi32, #tpu.memory_space<hbm>>) target(%arg5 : memref<200x128xi32, #tpu.memory_space<vmem>>) target_semaphore(%run_scoped3A : memref<!tpu.dma_semaphore, #tpu.memory_space<semaphore_mem>>)
      %dma_wait3A = arith.constant 0 : i32
      %dma_wait3A_132 = arith.constant 0 : i32
      %dma_wait3A_133 = tpu.memref_slice %arg2[%add3A, %dma_wait3A, %dma_wait3A_132] : memref<32x200x128xi32, #tpu.memory_space<hbm>> -> memref<1x200x128xi32, #tpu.memory_space<hbm>>
      %dma_wait3A_134 = tpu.memref_squeeze %dma_wait3A_133 : memref<1x200x128xi32, #tpu.memory_space<hbm>> -> memref<200x128xi32, #tpu.memory_space<hbm>>
      %dma_wait3A_135 = arith.constant 0 : i32
      %dma_wait3A_136 = arith.constant 0 : i32
      %dma_wait3A_137 = tpu.memref_slice %arg2[%add3A, %dma_wait3A_135, %dma_wait3A_136] : memref<32x200x128xi32, #tpu.memory_space<hbm>> -> memref<1x200x128xi32, #tpu.memory_space<hbm>>
      %dma_wait3A_138 = tpu.memref_squeeze %dma_wait3A_137 : memref<1x200x128xi32, #tpu.memory_space<hbm>> -> memref<200x128xi32, #tpu.memory_space<hbm>>
      tpu.wait_dma2 semaphore(%run_scoped3A : memref<!tpu.dma_semaphore, #tpu.memory_space<semaphore_mem>>) src(%dma_wait3A_138 : memref<200x128xi32, #tpu.memory_space<hbm>>) dst(%arg5 : memref<200x128xi32, #tpu.memory_space<vmem>>)
      tpu.yield
    }) : () -> ()
    %dma_start3A = arith.constant 0 : i32
    %dma_start3A_1 = arith.constant 0 : i32
    %dma_start3A_2 = arith.constant 0 : i32
    %dma_start3A_3 = arith.constant 0 : i32
    %dma_start3A_4 = arith.constant 0 : i32
    %dma_start3A_5 = tpu.memref_slice %arg6[%dma_start3A_1, %dma_start3A_3, %dma_start3A_4] : memref<8x128x64xf32, #tpu.memory_space<vmem>> -> memref<1x128x64xf32, #tpu.memory_space<vmem>>
    %dma_start3A_6 = tpu.memref_squeeze %dma_start3A_5 : memref<1x128x64xf32, #tpu.memory_space<vmem>> -> memref<128x64xf32, #tpu.memory_space<vmem>>
    %dma_start3A_7 = arith.constant 0 : i32
    %dma_start3A_8 = tpu.memref_slice %arg5[%dma_start3A, %dma_start3A_7] : memref<200x128xi32, #tpu.memory_space<vmem>> -> memref<1x128xi32, #tpu.memory_space<vmem>>
    %dma_start3A_9 = tpu.memref_squeeze %dma_start3A_8 : memref<1x128xi32, #tpu.memory_space<vmem>> -> memref<128xi32, #tpu.memory_space<vmem>>
    %dma_start3A_10 = arith.constant 0 : i32
    %dma_start3A_11 = arith.constant 0 : i32
    %dma_start3A_12 = tpu.memref_slice %arg3[%dma_start3A_10, %dma_start3A_11] : memref<1000000x64xf32, #tpu.memory_space<hbm>> -> memref<1000000x64xf32, #tpu.memory_space<hbm>>
    %dma_start3A_13 = tpu.memref_slice %arg7[%dma_start3A_2] : memref<8x!tpu.dma_semaphore, #tpu.memory_space<semaphore_mem>> -> memref<1x!tpu.dma_semaphore, #tpu.memory_space<semaphore_mem>>
    %dma_start3A_14 = tpu.memref_squeeze %dma_start3A_13 : memref<1x!tpu.dma_semaphore, #tpu.memory_space<semaphore_mem>> -> memref<!tpu.dma_semaphore, #tpu.memory_space<semaphore_mem>>
    tpu.enqueue_indirect_dma source(%dma_start3A_12 : memref<1000000x64xf32, #tpu.memory_space<hbm>>) target(%dma_start3A_6 : memref<128x64xf32, #tpu.memory_space<vmem>>) offsets(%dma_start3A_9 : memref<128xi32, #tpu.memory_space<vmem>>) semaphore(%dma_start3A_14 : memref<!tpu.dma_semaphore, #tpu.memory_space<semaphore_mem>>)
    %dma_start3A_15 = arith.constant 1 : i32
    %dma_start3A_16 = arith.constant 1 : i32
    %dma_start3A_17 = arith.constant 1 : i32
    %dma_start3A_18 = arith.constant 0 : i32
    %dma_start3A_19 = arith.constant 0 : i32
    %dma_start3A_20 = tpu.memref_slice %arg6[%dma_start3A_16, %dma_start3A_18, %dma_start3A_19] : memref<8x128x64xf32, #tpu.memory_space<vmem>> -> memref<1x128x64xf32, #tpu.memory_space<vmem>>
    %dma_start3A_21 = tpu.memref_squeeze %dma_start3A_20 : memref<1x128x64xf32, #tpu.memory_space<vmem>> -> memref<128x64xf32, #tpu.memory_space<vmem>>
    %dma_start3A_22 = arith.constant 0 : i32
    %dma_start3A_23 = tpu.memref_slice %arg5[%dma_start3A_15, %dma_start3A_22] : memref<200x128xi32, #tpu.memory_space<vmem>> -> memref<1x128xi32, #tpu.memory_space<vmem>>
    %dma_start3A_24 = tpu.memref_squeeze %dma_start3A_23 : memref<1x128xi32, #tpu.memory_space<vmem>> -> memref<128xi32, #tpu.memory_space<vmem>>
    %dma_start3A_25 = arith.constant 0 : i32
    %dma_start3A_26 = arith.constant 0 : i32
    %dma_start3A_27 = tpu.memref_slice %arg3[%dma_start3A_25, %dma_start3A_26] : memref<1000000x64xf32, #tpu.memory_space<hbm>> -> memref<1000000x64xf32, #tpu.memory_space<hbm>>
    %dma_start3A_28 = tpu.memref_slice %arg7[%dma_start3A_17] : memref<8x!tpu.dma_semaphore, #tpu.memory_space<semaphore_mem>> -> memref<1x!tpu.dma_semaphore, #tpu.memory_space<semaphore_mem>>
    %dma_start3A_29 = tpu.memref_squeeze %dma_start3A_28 : memref<1x!tpu.dma_semaphore, #tpu.memory_space<semaphore_mem>> -> memref<!tpu.dma_semaphore, #tpu.memory_space<semaphore_mem>>
    tpu.enqueue_indirect_dma source(%dma_start3A_27 : memref<1000000x64xf32, #tpu.memory_space<hbm>>) target(%dma_start3A_21 : memref<128x64xf32, #tpu.memory_space<vmem>>) offsets(%dma_start3A_24 : memref<128xi32, #tpu.memory_space<vmem>>) semaphore(%dma_start3A_29 : memref<!tpu.dma_semaphore, #tpu.memory_space<semaphore_mem>>)
    %dma_start3A_30 = arith.constant 2 : i32
    %dma_start3A_31 = arith.constant 2 : i32
    %dma_start3A_32 = arith.constant 2 : i32
    %dma_start3A_33 = arith.constant 0 : i32
    %dma_start3A_34 = arith.constant 0 : i32
    %dma_start3A_35 = tpu.memref_slice %arg6[%dma_start3A_31, %dma_start3A_33, %dma_start3A_34] : memref<8x128x64xf32, #tpu.memory_space<vmem>> -> memref<1x128x64xf32, #tpu.memory_space<vmem>>
    %dma_start3A_36 = tpu.memref_squeeze %dma_start3A_35 : memref<1x128x64xf32, #tpu.memory_space<vmem>> -> memref<128x64xf32, #tpu.memory_space<vmem>>
    %dma_start3A_37 = arith.constant 0 : i32
    %dma_start3A_38 = tpu.memref_slice %arg5[%dma_start3A_30, %dma_start3A_37] : memref<200x128xi32, #tpu.memory_space<vmem>> -> memref<1x128xi32, #tpu.memory_space<vmem>>
    %dma_start3A_39 = tpu.memref_squeeze %dma_start3A_38 : memref<1x128xi32, #tpu.memory_space<vmem>> -> memref<128xi32, #tpu.memory_space<vmem>>
    %dma_start3A_40 = arith.constant 0 : i32
    %dma_start3A_41 = arith.constant 0 : i32
    %dma_start3A_42 = tpu.memref_slice %arg3[%dma_start3A_40, %dma_start3A_41] : memref<1000000x64xf32, #tpu.memory_space<hbm>> -> memref<1000000x64xf32, #tpu.memory_space<hbm>>
    %dma_start3A_43 = tpu.memref_slice %arg7[%dma_start3A_32] : memref<8x!tpu.dma_semaphore, #tpu.memory_space<semaphore_mem>> -> memref<1x!tpu.dma_semaphore, #tpu.memory_space<semaphore_mem>>
    %dma_start3A_44 = tpu.memref_squeeze %dma_start3A_43 : memref<1x!tpu.dma_semaphore, #tpu.memory_space<semaphore_mem>> -> memref<!tpu.dma_semaphore, #tpu.memory_space<semaphore_mem>>
    tpu.enqueue_indirect_dma source(%dma_start3A_42 : memref<1000000x64xf32, #tpu.memory_space<hbm>>) target(%dma_start3A_36 : memref<128x64xf32, #tpu.memory_space<vmem>>) offsets(%dma_start3A_39 : memref<128xi32, #tpu.memory_space<vmem>>) semaphore(%dma_start3A_44 : memref<!tpu.dma_semaphore, #tpu.memory_space<semaphore_mem>>)
    %dma_start3A_45 = arith.constant 3 : i32
    %dma_start3A_46 = arith.constant 3 : i32
    %dma_start3A_47 = arith.constant 3 : i32
    %dma_start3A_48 = arith.constant 0 : i32
    %dma_start3A_49 = arith.constant 0 : i32
    %dma_start3A_50 = tpu.memref_slice %arg6[%dma_start3A_46, %dma_start3A_48, %dma_start3A_49] : memref<8x128x64xf32, #tpu.memory_space<vmem>> -> memref<1x128x64xf32, #tpu.memory_space<vmem>>
    %dma_start3A_51 = tpu.memref_squeeze %dma_start3A_50 : memref<1x128x64xf32, #tpu.memory_space<vmem>> -> memref<128x64xf32, #tpu.memory_space<vmem>>
    %dma_start3A_52 = arith.constant 0 : i32
    %dma_start3A_53 = tpu.memref_slice %arg5[%dma_start3A_45, %dma_start3A_52] : memref<200x128xi32, #tpu.memory_space<vmem>> -> memref<1x128xi32, #tpu.memory_space<vmem>>
    %dma_start3A_54 = tpu.memref_squeeze %dma_start3A_53 : memref<1x128xi32, #tpu.memory_space<vmem>> -> memref<128xi32, #tpu.memory_space<vmem>>
    %dma_start3A_55 = arith.constant 0 : i32
    %dma_start3A_56 = arith.constant 0 : i32
    %dma_start3A_57 = tpu.memref_slice %arg3[%dma_start3A_55, %dma_start3A_56] : memref<1000000x64xf32, #tpu.memory_space<hbm>> -> memref<1000000x64xf32, #tpu.memory_space<hbm>>
    %dma_start3A_58 = tpu.memref_slice %arg7[%dma_start3A_47] : memref<8x!tpu.dma_semaphore, #tpu.memory_space<semaphore_mem>> -> memref<1x!tpu.dma_semaphore, #tpu.memory_space<semaphore_mem>>
    %dma_start3A_59 = tpu.memref_squeeze %dma_start3A_58 : memref<1x!tpu.dma_semaphore, #tpu.memory_space<semaphore_mem>> -> memref<!tpu.dma_semaphore, #tpu.memory_space<semaphore_mem>>
    tpu.enqueue_indirect_dma source(%dma_start3A_57 : memref<1000000x64xf32, #tpu.memory_space<hbm>>) target(%dma_start3A_51 : memref<128x64xf32, #tpu.memory_space<vmem>>) offsets(%dma_start3A_54 : memref<128xi32, #tpu.memory_space<vmem>>) semaphore(%dma_start3A_59 : memref<!tpu.dma_semaphore, #tpu.memory_space<semaphore_mem>>)
    %dma_start3A_60 = arith.constant 4 : i32
    %dma_start3A_61 = arith.constant 4 : i32
    %dma_start3A_62 = arith.constant 4 : i32
    %dma_start3A_63 = arith.constant 0 : i32
    %dma_start3A_64 = arith.constant 0 : i32
    %dma_start3A_65 = tpu.memref_slice %arg6[%dma_start3A_61, %dma_start3A_63, %dma_start3A_64] : memref<8x128x64xf32, #tpu.memory_space<vmem>> -> memref<1x128x64xf32, #tpu.memory_space<vmem>>
    %dma_start3A_66 = tpu.memref_squeeze %dma_start3A_65 : memref<1x128x64xf32, #tpu.memory_space<vmem>> -> memref<128x64xf32, #tpu.memory_space<vmem>>
    %dma_start3A_67 = arith.constant 0 : i32
    %dma_start3A_68 = tpu.memref_slice %arg5[%dma_start3A_60, %dma_start3A_67] : memref<200x128xi32, #tpu.memory_space<vmem>> -> memref<1x128xi32, #tpu.memory_space<vmem>>
    %dma_start3A_69 = tpu.memref_squeeze %dma_start3A_68 : memref<1x128xi32, #tpu.memory_space<vmem>> -> memref<128xi32, #tpu.memory_space<vmem>>
    %dma_start3A_70 = arith.constant 0 : i32
    %dma_start3A_71 = arith.constant 0 : i32
    %dma_start3A_72 = tpu.memref_slice %arg3[%dma_start3A_70, %dma_start3A_71] : memref<1000000x64xf32, #tpu.memory_space<hbm>> -> memref<1000000x64xf32, #tpu.memory_space<hbm>>
    %dma_start3A_73 = tpu.memref_slice %arg7[%dma_start3A_62] : memref<8x!tpu.dma_semaphore, #tpu.memory_space<semaphore_mem>> -> memref<1x!tpu.dma_semaphore, #tpu.memory_space<semaphore_mem>>
    %dma_start3A_74 = tpu.memref_squeeze %dma_start3A_73 : memref<1x!tpu.dma_semaphore, #tpu.memory_space<semaphore_mem>> -> memref<!tpu.dma_semaphore, #tpu.memory_space<semaphore_mem>>
    tpu.enqueue_indirect_dma source(%dma_start3A_72 : memref<1000000x64xf32, #tpu.memory_space<hbm>>) target(%dma_start3A_66 : memref<128x64xf32, #tpu.memory_space<vmem>>) offsets(%dma_start3A_69 : memref<128xi32, #tpu.memory_space<vmem>>) semaphore(%dma_start3A_74 : memref<!tpu.dma_semaphore, #tpu.memory_space<semaphore_mem>>)
    %dma_start3A_75 = arith.constant 5 : i32
    %dma_start3A_76 = arith.constant 5 : i32
    %dma_start3A_77 = arith.constant 5 : i32
    %dma_start3A_78 = arith.constant 0 : i32
    %dma_start3A_79 = arith.constant 0 : i32
    %dma_start3A_80 = tpu.memref_slice %arg6[%dma_start3A_76, %dma_start3A_78, %dma_start3A_79] : memref<8x128x64xf32, #tpu.memory_space<vmem>> -> memref<1x128x64xf32, #tpu.memory_space<vmem>>
    %dma_start3A_81 = tpu.memref_squeeze %dma_start3A_80 : memref<1x128x64xf32, #tpu.memory_space<vmem>> -> memref<128x64xf32, #tpu.memory_space<vmem>>
    %dma_start3A_82 = arith.constant 0 : i32
    %dma_start3A_83 = tpu.memref_slice %arg5[%dma_start3A_75, %dma_start3A_82] : memref<200x128xi32, #tpu.memory_space<vmem>> -> memref<1x128xi32, #tpu.memory_space<vmem>>
    %dma_start3A_84 = tpu.memref_squeeze %dma_start3A_83 : memref<1x128xi32, #tpu.memory_space<vmem>> -> memref<128xi32, #tpu.memory_space<vmem>>
    %dma_start3A_85 = arith.constant 0 : i32
    %dma_start3A_86 = arith.constant 0 : i32
    %dma_start3A_87 = tpu.memref_slice %arg3[%dma_start3A_85, %dma_start3A_86] : memref<1000000x64xf32, #tpu.memory_space<hbm>> -> memref<1000000x64xf32, #tpu.memory_space<hbm>>
    %dma_start3A_88 = tpu.memref_slice %arg7[%dma_start3A_77] : memref<8x!tpu.dma_semaphore, #tpu.memory_space<semaphore_mem>> -> memref<1x!tpu.dma_semaphore, #tpu.memory_space<semaphore_mem>>
    %dma_start3A_89 = tpu.memref_squeeze %dma_start3A_88 : memref<1x!tpu.dma_semaphore, #tpu.memory_space<semaphore_mem>> -> memref<!tpu.dma_semaphore, #tpu.memory_space<semaphore_mem>>
    tpu.enqueue_indirect_dma source(%dma_start3A_87 : memref<1000000x64xf32, #tpu.memory_space<hbm>>) target(%dma_start3A_81 : memref<128x64xf32, #tpu.memory_space<vmem>>) offsets(%dma_start3A_84 : memref<128xi32, #tpu.memory_space<vmem>>) semaphore(%dma_start3A_89 : memref<!tpu.dma_semaphore, #tpu.memory_space<semaphore_mem>>)
    %dma_start3A_90 = arith.constant 6 : i32
    %dma_start3A_91 = arith.constant 6 : i32
    %dma_start3A_92 = arith.constant 6 : i32
    %dma_start3A_93 = arith.constant 0 : i32
    %dma_start3A_94 = arith.constant 0 : i32
    %dma_start3A_95 = tpu.memref_slice %arg6[%dma_start3A_91, %dma_start3A_93, %dma_start3A_94] : memref<8x128x64xf32, #tpu.memory_space<vmem>> -> memref<1x128x64xf32, #tpu.memory_space<vmem>>
    %dma_start3A_96 = tpu.memref_squeeze %dma_start3A_95 : memref<1x128x64xf32, #tpu.memory_space<vmem>> -> memref<128x64xf32, #tpu.memory_space<vmem>>
    %dma_start3A_97 = arith.constant 0 : i32
    %dma_start3A_98 = tpu.memref_slice %arg5[%dma_start3A_90, %dma_start3A_97] : memref<200x128xi32, #tpu.memory_space<vmem>> -> memref<1x128xi32, #tpu.memory_space<vmem>>
    %dma_start3A_99 = tpu.memref_squeeze %dma_start3A_98 : memref<1x128xi32, #tpu.memory_space<vmem>> -> memref<128xi32, #tpu.memory_space<vmem>>
    %dma_start3A_100 = arith.constant 0 : i32
    %dma_start3A_101 = arith.constant 0 : i32
    %dma_start3A_102 = tpu.memref_slice %arg3[%dma_start3A_100, %dma_start3A_101] : memref<1000000x64xf32, #tpu.memory_space<hbm>> -> memref<1000000x64xf32, #tpu.memory_space<hbm>>
    %dma_start3A_103 = tpu.memref_slice %arg7[%dma_start3A_92] : memref<8x!tpu.dma_semaphore, #tpu.memory_space<semaphore_mem>> -> memref<1x!tpu.dma_semaphore, #tpu.memory_space<semaphore_mem>>
    %dma_start3A_104 = tpu.memref_squeeze %dma_start3A_103 : memref<1x!tpu.dma_semaphore, #tpu.memory_space<semaphore_mem>> -> memref<!tpu.dma_semaphore, #tpu.memory_space<semaphore_mem>>
    tpu.enqueue_indirect_dma source(%dma_start3A_102 : memref<1000000x64xf32, #tpu.memory_space<hbm>>) target(%dma_start3A_96 : memref<128x64xf32, #tpu.memory_space<vmem>>) offsets(%dma_start3A_99 : memref<128xi32, #tpu.memory_space<vmem>>) semaphore(%dma_start3A_104 : memref<!tpu.dma_semaphore, #tpu.memory_space<semaphore_mem>>)
    %dma_start3A_105 = arith.constant 7 : i32
    %dma_start3A_106 = arith.constant 7 : i32
    %dma_start3A_107 = arith.constant 7 : i32
    %dma_start3A_108 = arith.constant 0 : i32
    %dma_start3A_109 = arith.constant 0 : i32
    %dma_start3A_110 = tpu.memref_slice %arg6[%dma_start3A_106, %dma_start3A_108, %dma_start3A_109] : memref<8x128x64xf32, #tpu.memory_space<vmem>> -> memref<1x128x64xf32, #tpu.memory_space<vmem>>
    %dma_start3A_111 = tpu.memref_squeeze %dma_start3A_110 : memref<1x128x64xf32, #tpu.memory_space<vmem>> -> memref<128x64xf32, #tpu.memory_space<vmem>>
    %dma_start3A_112 = arith.constant 0 : i32
    %dma_start3A_113 = tpu.memref_slice %arg5[%dma_start3A_105, %dma_start3A_112] : memref<200x128xi32, #tpu.memory_space<vmem>> -> memref<1x128xi32, #tpu.memory_space<vmem>>
    %dma_start3A_114 = tpu.memref_squeeze %dma_start3A_113 : memref<1x128xi32, #tpu.memory_space<vmem>> -> memref<128xi32, #tpu.memory_space<vmem>>
    %dma_start3A_115 = arith.constant 0 : i32
    %dma_start3A_116 = arith.constant 0 : i32
    %dma_start3A_117 = tpu.memref_slice %arg3[%dma_start3A_115, %dma_start3A_116] : memref<1000000x64xf32, #tpu.memory_space<hbm>> -> memref<1000000x64xf32, #tpu.memory_space<hbm>>
    %dma_start3A_118 = tpu.memref_slice %arg7[%dma_start3A_107] : memref<8x!tpu.dma_semaphore, #tpu.memory_space<semaphore_mem>> -> memref<1x!tpu.dma_semaphore, #tpu.memory_space<semaphore_mem>>
    %dma_start3A_119 = tpu.memref_squeeze %dma_start3A_118 : memref<1x!tpu.dma_semaphore, #tpu.memory_space<semaphore_mem>> -> memref<!tpu.dma_semaphore, #tpu.memory_space<semaphore_mem>>
    tpu.enqueue_indirect_dma source(%dma_start3A_117 : memref<1000000x64xf32, #tpu.memory_space<hbm>>) target(%dma_start3A_111 : memref<128x64xf32, #tpu.memory_space<vmem>>) offsets(%dma_start3A_114 : memref<128xi32, #tpu.memory_space<vmem>>) semaphore(%dma_start3A_119 : memref<!tpu.dma_semaphore, #tpu.memory_space<semaphore_mem>>)
    %scan3A = arith.constant 0 : i32
    %scan3A_120 = arith.constant 25 : i32
    %scan3A_121 = arith.addi %scan3A, %scan3A_120 : i32
    %scan3A_122 = arith.constant 1 : i32
    scf.for %scan3A_124 = %scan3A to %scan3A_121 step %scan3A_122  : i32 {
      %mul3A_125 = arith.constant 8 : i32
      %mul3A_126 = arith.muli %scan3A_124, %mul3A_125 : i32
      %add3A_127 = arith.constant 0 : i32
      %add3A_128 = arith.addi %add3A_127, %mul3A_126 : i32
      %add3A_129 = arith.constant 0 : i32
      %add3A_130 = arith.addi %add3A_128, %add3A_129 : i32
      %dma_wait3A = arith.constant 0 : i32
      %dma_wait3A_131 = arith.constant 0 : i32
      %dma_wait3A_132 = arith.constant 0 : i32
      %dma_wait3A_133 = arith.constant 0 : i32
      %dma_wait3A_134 = arith.constant 0 : i32
      %dma_wait3A_135 = tpu.memref_slice %arg6[%dma_wait3A_131, %dma_wait3A_133, %dma_wait3A_134] : memref<8x128x64xf32, #tpu.memory_space<vmem>> -> memref<1x128x64xf32, #tpu.memory_space<vmem>>
      %dma_wait3A_136 = tpu.memref_squeeze %dma_wait3A_135 : memref<1x128x64xf32, #tpu.memory_space<vmem>> -> memref<128x64xf32, #tpu.memory_space<vmem>>
      %dma_wait3A_137 = arith.constant 0 : i32
      %dma_wait3A_138 = tpu.memref_slice %arg5[%dma_wait3A, %dma_wait3A_137] : memref<200x128xi32, #tpu.memory_space<vmem>> -> memref<1x128xi32, #tpu.memory_space<vmem>>
      %dma_wait3A_139 = tpu.memref_squeeze %dma_wait3A_138 : memref<1x128xi32, #tpu.memory_space<vmem>> -> memref<128xi32, #tpu.memory_space<vmem>>
      %dma_wait3A_140 = arith.constant 0 : i32
      %dma_wait3A_141 = arith.constant 0 : i32
      %dma_wait3A_142 = tpu.memref_slice %arg3[%dma_wait3A_140, %dma_wait3A_141] : memref<1000000x64xf32, #tpu.memory_space<hbm>> -> memref<1000000x64xf32, #tpu.memory_space<hbm>>
      %dma_wait3A_143 = tpu.memref_slice %arg7[%dma_wait3A_132] : memref<8x!tpu.dma_semaphore, #tpu.memory_space<semaphore_mem>> -> memref<1x!tpu.dma_semaphore, #tpu.memory_space<semaphore_mem>>
      %dma_wait3A_144 = tpu.memref_squeeze %dma_wait3A_143 : memref<1x!tpu.dma_semaphore, #tpu.memory_space<semaphore_mem>> -> memref<!tpu.dma_semaphore, #tpu.memory_space<semaphore_mem>>
      tpu.wait_indirect_dma semaphore(%dma_wait3A_144 : memref<!tpu.dma_semaphore, #tpu.memory_space<semaphore_mem>>) src(%dma_wait3A_142 : memref<1000000x64xf32, #tpu.memory_space<hbm>>) dst(%dma_wait3A_136 : memref<128x64xf32, #tpu.memory_space<vmem>>)
      %run_scoped3A = arith.constant 0 : i32
      "tpu.region"() ({
        %run_scoped3A_324 = tpu.sem_alloc : memref<!tpu.dma_semaphore, #tpu.memory_space<semaphore_mem>>
        %dma_start3A_325 = arith.constant 0 : i32
        %dma_start3A_326 = arith.constant 0 : i32
        %dma_start3A_327 = tpu.memref_slice %arg6[%run_scoped3A, %dma_start3A_325, %dma_start3A_326] : memref<8x128x64xf32, #tpu.memory_space<vmem>> -> memref<1x128x64xf32, #tpu.memory_space<vmem>>
        %dma_start3A_328 = tpu.memref_squeeze %dma_start3A_327 : memref<1x128x64xf32, #tpu.memory_space<vmem>> -> memref<128x64xf32, #tpu.memory_space<vmem>>
        %dma_start3A_329 = arith.constant 0 : i32
        %dma_start3A_330 = arith.constant 0 : i32
        %dma_start3A_331 = tpu.memref_slice %arg4[%add3A, %add3A_130, %dma_start3A_329, %dma_start3A_330] : memref<32x200x128x64xf32, #tpu.memory_space<hbm>> -> memref<1x1x128x64xf32, #tpu.memory_space<hbm>>
        %dma_start3A_332 = tpu.memref_squeeze %dma_start3A_331 : memref<1x1x128x64xf32, #tpu.memory_space<hbm>> -> memref<128x64xf32, #tpu.memory_space<hbm>>
        %dma_start3A_333 = arith.constant 0 : i32
        %dma_start3A_334 = arith.constant 0 : i32
        %dma_start3A_335 = tpu.memref_slice %arg4[%add3A, %add3A_130, %dma_start3A_333, %dma_start3A_334] : memref<32x200x128x64xf32, #tpu.memory_space<hbm>> -> memref<1x1x128x64xf32, #tpu.memory_space<hbm>>
        %dma_start3A_336 = tpu.memref_squeeze %dma_start3A_335 : memref<1x1x128x64xf32, #tpu.memory_space<hbm>> -> memref<128x64xf32, #tpu.memory_space<hbm>>
        %dma_start3A_337 = arith.constant 0 : i32
        %dma_start3A_338 = arith.constant 0 : i32
        %dma_start3A_339 = tpu.memref_slice %arg6[%run_scoped3A, %dma_start3A_337, %dma_start3A_338] : memref<8x128x64xf32, #tpu.memory_space<vmem>> -> memref<1x128x64xf32, #tpu.memory_space<vmem>>
        %dma_start3A_340 = tpu.memref_squeeze %dma_start3A_339 : memref<1x128x64xf32, #tpu.memory_space<vmem>> -> memref<128x64xf32, #tpu.memory_space<vmem>>
        tpu.enqueue_dma source(%dma_start3A_340 : memref<128x64xf32, #tpu.memory_space<vmem>>) target(%dma_start3A_336 : memref<128x64xf32, #tpu.memory_space<hbm>>) target_semaphore(%run_scoped3A_324 : memref<!tpu.dma_semaphore, #tpu.memory_space<semaphore_mem>>)
        %dma_wait3A_341 = arith.constant 0 : i32
        %dma_wait3A_342 = arith.constant 0 : i32
        %dma_wait3A_343 = tpu.memref_slice %arg6[%run_scoped3A, %dma_wait3A_341, %dma_wait3A_342] : memref<8x128x64xf32, #tpu.memory_space<vmem>> -> memref<1x128x64xf32, #tpu.memory_space<vmem>>
        %dma_wait3A_344 = tpu.memref_squeeze %dma_wait3A_343 : memref<1x128x64xf32, #tpu.memory_space<vmem>> -> memref<128x64xf32, #tpu.memory_space<vmem>>
        %dma_wait3A_345 = arith.constant 0 : i32
        %dma_wait3A_346 = arith.constant 0 : i32
        %dma_wait3A_347 = tpu.memref_slice %arg4[%add3A, %add3A_130, %dma_wait3A_345, %dma_wait3A_346] : memref<32x200x128x64xf32, #tpu.memory_space<hbm>> -> memref<1x1x128x64xf32, #tpu.memory_space<hbm>>
        %dma_wait3A_348 = tpu.memref_squeeze %dma_wait3A_347 : memref<1x1x128x64xf32, #tpu.memory_space<hbm>> -> memref<128x64xf32, #tpu.memory_space<hbm>>
        %dma_wait3A_349 = arith.constant 0 : i32
        %dma_wait3A_350 = arith.constant 0 : i32
        %dma_wait3A_351 = tpu.memref_slice %arg4[%add3A, %add3A_130, %dma_wait3A_349, %dma_wait3A_350] : memref<32x200x128x64xf32, #tpu.memory_space<hbm>> -> memref<1x1x128x64xf32, #tpu.memory_space<hbm>>
        %dma_wait3A_352 = tpu.memref_squeeze %dma_wait3A_351 : memref<1x1x128x64xf32, #tpu.memory_space<hbm>> -> memref<128x64xf32, #tpu.memory_space<hbm>>
        %dma_wait3A_353 = arith.constant 0 : i32
        %dma_wait3A_354 = arith.constant 0 : i32
        %dma_wait3A_355 = tpu.memref_slice %arg6[%run_scoped3A, %dma_wait3A_353, %dma_wait3A_354] : memref<8x128x64xf32, #tpu.memory_space<vmem>> -> memref<1x128x64xf32, #tpu.memory_space<vmem>>
        %dma_wait3A_356 = tpu.memref_squeeze %dma_wait3A_355 : memref<1x128x64xf32, #tpu.memory_space<vmem>> -> memref<128x64xf32, #tpu.memory_space<vmem>>
        tpu.wait_dma2 semaphore(%run_scoped3A_324 : memref<!tpu.dma_semaphore, #tpu.memory_space<semaphore_mem>>) src(%dma_wait3A_356 : memref<128x64xf32, #tpu.memory_space<vmem>>) dst(%dma_wait3A_352 : memref<128x64xf32, #tpu.memory_space<hbm>>)
        tpu.yield
      }) : () -> ()
      %add3A_145 = arith.constant 8 : i32
      %add3A_146 = arith.addi %add3A_130, %add3A_145 : i32
      %lt3A = arith.constant 200 : i32
      %lt3A_147 = arith.cmpi slt, %add3A_146, %lt3A : i32
      %convert_element_type3A = arith.extui %lt3A_147 : i1 to i32
      %cond3A = arith.constant 0 : i32
      %cond3A_148 = arith.cmpi ne, %convert_element_type3A, %cond3A : i32
      scf.if %cond3A_148 {
        %add3A_324 = arith.constant 8 : i32
        %add3A_325 = arith.addi %add3A_130, %add3A_324 : i32
        %dma_start3A_326 = arith.constant 0 : i32
        %dma_start3A_327 = arith.constant 0 : i32
        %dma_start3A_328 = arith.constant 0 : i32
        %dma_start3A_329 = arith.constant 0 : i32
        %dma_start3A_330 = tpu.memref_slice %arg6[%dma_start3A_326, %dma_start3A_328, %dma_start3A_329] : memref<8x128x64xf32, #tpu.memory_space<vmem>> -> memref<1x128x64xf32, #tpu.memory_space<vmem>>
        %dma_start3A_331 = tpu.memref_squeeze %dma_start3A_330 : memref<1x128x64xf32, #tpu.memory_space<vmem>> -> memref<128x64xf32, #tpu.memory_space<vmem>>
        %dma_start3A_332 = arith.constant 0 : i32
        %dma_start3A_333 = tpu.memref_slice %arg5[%add3A_325, %dma_start3A_332] : memref<200x128xi32, #tpu.memory_space<vmem>> -> memref<1x128xi32, #tpu.memory_space<vmem>>
        %dma_start3A_334 = tpu.memref_squeeze %dma_start3A_333 : memref<1x128xi32, #tpu.memory_space<vmem>> -> memref<128xi32, #tpu.memory_space<vmem>>
        %dma_start3A_335 = arith.constant 0 : i32
        %dma_start3A_336 = arith.constant 0 : i32
        %dma_start3A_337 = tpu.memref_slice %arg3[%dma_start3A_335, %dma_start3A_336] : memref<1000000x64xf32, #tpu.memory_space<hbm>> -> memref<1000000x64xf32, #tpu.memory_space<hbm>>
        %dma_start3A_338 = tpu.memref_slice %arg7[%dma_start3A_327] : memref<8x!tpu.dma_semaphore, #tpu.memory_space<semaphore_mem>> -> memref<1x!tpu.dma_semaphore, #tpu.memory_space<semaphore_mem>>
        %dma_start3A_339 = tpu.memref_squeeze %dma_start3A_338 : memref<1x!tpu.dma_semaphore, #tpu.memory_space<semaphore_mem>> -> memref<!tpu.dma_semaphore, #tpu.memory_space<semaphore_mem>>
        tpu.enqueue_indirect_dma source(%dma_start3A_337 : memref<1000000x64xf32, #tpu.memory_space<hbm>>) target(%dma_start3A_331 : memref<128x64xf32, #tpu.memory_space<vmem>>) offsets(%dma_start3A_334 : memref<128xi32, #tpu.memory_space<vmem>>) semaphore(%dma_start3A_339 : memref<!tpu.dma_semaphore, #tpu.memory_space<semaphore_mem>>)
      } else {
      }
      %add3A_149 = arith.constant 1 : i32
      %add3A_150 = arith.addi %add3A_128, %add3A_149 : i32
      %dma_wait3A_151 = arith.constant 1 : i32
      %dma_wait3A_152 = arith.constant 1 : i32
      %dma_wait3A_153 = arith.constant 1 : i32
      %dma_wait3A_154 = arith.constant 0 : i32
      %dma_wait3A_155 = arith.constant 0 : i32
      %dma_wait3A_156 = tpu.memref_slice %arg6[%dma_wait3A_152, %dma_wait3A_154, %dma_wait3A_155] : memref<8x128x64xf32, #tpu.memory_space<vmem>> -> memref<1x128x64xf32, #tpu.memory_space<vmem>>
      %dma_wait3A_157 = tpu.memref_squeeze %dma_wait3A_156 : memref<1x128x64xf32, #tpu.memory_space<vmem>> -> memref<128x64xf32, #tpu.memory_space<vmem>>
      %dma_wait3A_158 = arith.constant 0 : i32
      %dma_wait3A_159 = tpu.memref_slice %arg5[%dma_wait3A_151, %dma_wait3A_158] : memref<200x128xi32, #tpu.memory_space<vmem>> -> memref<1x128xi32, #tpu.memory_space<vmem>>
      %dma_wait3A_160 = tpu.memref_squeeze %dma_wait3A_159 : memref<1x128xi32, #tpu.memory_space<vmem>> -> memref<128xi32, #tpu.memory_space<vmem>>
      %dma_wait3A_161 = arith.constant 0 : i32
      %dma_wait3A_162 = arith.constant 0 : i32
      %dma_wait3A_163 = tpu.memref_slice %arg3[%dma_wait3A_161, %dma_wait3A_162] : memref<1000000x64xf32, #tpu.memory_space<hbm>> -> memref<1000000x64xf32, #tpu.memory_space<hbm>>
      %dma_wait3A_164 = tpu.memref_slice %arg7[%dma_wait3A_153] : memref<8x!tpu.dma_semaphore, #tpu.memory_space<semaphore_mem>> -> memref<1x!tpu.dma_semaphore, #tpu.memory_space<semaphore_mem>>
      %dma_wait3A_165 = tpu.memref_squeeze %dma_wait3A_164 : memref<1x!tpu.dma_semaphore, #tpu.memory_space<semaphore_mem>> -> memref<!tpu.dma_semaphore, #tpu.memory_space<semaphore_mem>>
      tpu.wait_indirect_dma semaphore(%dma_wait3A_165 : memref<!tpu.dma_semaphore, #tpu.memory_space<semaphore_mem>>) src(%dma_wait3A_163 : memref<1000000x64xf32, #tpu.memory_space<hbm>>) dst(%dma_wait3A_157 : memref<128x64xf32, #tpu.memory_space<vmem>>)
      %run_scoped3A_166 = arith.constant 1 : i32
      "tpu.region"() ({
        %run_scoped3A_324 = tpu.sem_alloc : memref<!tpu.dma_semaphore, #tpu.memory_space<semaphore_mem>>
        %dma_start3A_325 = arith.constant 0 : i32
        %dma_start3A_326 = arith.constant 0 : i32
        %dma_start3A_327 = tpu.memref_slice %arg6[%run_scoped3A_166, %dma_start3A_325, %dma_start3A_326] : memref<8x128x64xf32, #tpu.memory_space<vmem>> -> memref<1x128x64xf32, #tpu.memory_space<vmem>>
        %dma_start3A_328 = tpu.memref_squeeze %dma_start3A_327 : memref<1x128x64xf32, #tpu.memory_space<vmem>> -> memref<128x64xf32, #tpu.memory_space<vmem>>
        %dma_start3A_329 = arith.constant 0 : i32
        %dma_start3A_330 = arith.constant 0 : i32
        %dma_start3A_331 = tpu.memref_slice %arg4[%add3A, %add3A_150, %dma_start3A_329, %dma_start3A_330] : memref<32x200x128x64xf32, #tpu.memory_space<hbm>> -> memref<1x1x128x64xf32, #tpu.memory_space<hbm>>
        %dma_start3A_332 = tpu.memref_squeeze %dma_start3A_331 : memref<1x1x128x64xf32, #tpu.memory_space<hbm>> -> memref<128x64xf32, #tpu.memory_space<hbm>>
        %dma_start3A_333 = arith.constant 0 : i32
        %dma_start3A_334 = arith.constant 0 : i32
        %dma_start3A_335 = tpu.memref_slice %arg4[%add3A, %add3A_150, %dma_start3A_333, %dma_start3A_334] : memref<32x200x128x64xf32, #tpu.memory_space<hbm>> -> memref<1x1x128x64xf32, #tpu.memory_space<hbm>>
        %dma_start3A_336 = tpu.memref_squeeze %dma_start3A_335 : memref<1x1x128x64xf32, #tpu.memory_space<hbm>> -> memref<128x64xf32, #tpu.memory_space<hbm>>
        %dma_start3A_337 = arith.constant 0 : i32
        %dma_start3A_338 = arith.constant 0 : i32
        %dma_start3A_339 = tpu.memref_slice %arg6[%run_scoped3A_166, %dma_start3A_337, %dma_start3A_338] : memref<8x128x64xf32, #tpu.memory_space<vmem>> -> memref<1x128x64xf32, #tpu.memory_space<vmem>>
        %dma_start3A_340 = tpu.memref_squeeze %dma_start3A_339 : memref<1x128x64xf32, #tpu.memory_space<vmem>> -> memref<128x64xf32, #tpu.memory_space<vmem>>
        tpu.enqueue_dma source(%dma_start3A_340 : memref<128x64xf32, #tpu.memory_space<vmem>>) target(%dma_start3A_336 : memref<128x64xf32, #tpu.memory_space<hbm>>) target_semaphore(%run_scoped3A_324 : memref<!tpu.dma_semaphore, #tpu.memory_space<semaphore_mem>>)
        %dma_wait3A_341 = arith.constant 0 : i32
        %dma_wait3A_342 = arith.constant 0 : i32
        %dma_wait3A_343 = tpu.memref_slice %arg6[%run_scoped3A_166, %dma_wait3A_341, %dma_wait3A_342] : memref<8x128x64xf32, #tpu.memory_space<vmem>> -> memref<1x128x64xf32, #tpu.memory_space<vmem>>
        %dma_wait3A_344 = tpu.memref_squeeze %dma_wait3A_343 : memref<1x128x64xf32, #tpu.memory_space<vmem>> -> memref<128x64xf32, #tpu.memory_space<vmem>>
        %dma_wait3A_345 = arith.constant 0 : i32
        %dma_wait3A_346 = arith.constant 0 : i32
        %dma_wait3A_347 = tpu.memref_slice %arg4[%add3A, %add3A_150, %dma_wait3A_345, %dma_wait3A_346] : memref<32x200x128x64xf32, #tpu.memory_space<hbm>> -> memref<1x1x128x64xf32, #tpu.memory_space<hbm>>
        %dma_wait3A_348 = tpu.memref_squeeze %dma_wait3A_347 : memref<1x1x128x64xf32, #tpu.memory_space<hbm>> -> memref<128x64xf32, #tpu.memory_space<hbm>>
        %dma_wait3A_349 = arith.constant 0 : i32
        %dma_wait3A_350 = arith.constant 0 : i32
        %dma_wait3A_351 = tpu.memref_slice %arg4[%add3A, %add3A_150, %dma_wait3A_349, %dma_wait3A_350] : memref<32x200x128x64xf32, #tpu.memory_space<hbm>> -> memref<1x1x128x64xf32, #tpu.memory_space<hbm>>
        %dma_wait3A_352 = tpu.memref_squeeze %dma_wait3A_351 : memref<1x1x128x64xf32, #tpu.memory_space<hbm>> -> memref<128x64xf32, #tpu.memory_space<hbm>>
        %dma_wait3A_353 = arith.constant 0 : i32
        %dma_wait3A_354 = arith.constant 0 : i32
        %dma_wait3A_355 = tpu.memref_slice %arg6[%run_scoped3A_166, %dma_wait3A_353, %dma_wait3A_354] : memref<8x128x64xf32, #tpu.memory_space<vmem>> -> memref<1x128x64xf32, #tpu.memory_space<vmem>>
        %dma_wait3A_356 = tpu.memref_squeeze %dma_wait3A_355 : memref<1x128x64xf32, #tpu.memory_space<vmem>> -> memref<128x64xf32, #tpu.memory_space<vmem>>
        tpu.wait_dma2 semaphore(%run_scoped3A_324 : memref<!tpu.dma_semaphore, #tpu.memory_space<semaphore_mem>>) src(%dma_wait3A_356 : memref<128x64xf32, #tpu.memory_space<vmem>>) dst(%dma_wait3A_352 : memref<128x64xf32, #tpu.memory_space<hbm>>)
        tpu.yield
      }) : () -> ()
      %add3A_167 = arith.constant 8 : i32
      %add3A_168 = arith.addi %add3A_150, %add3A_167 : i32
      %lt3A_169 = arith.constant 200 : i32
      %lt3A_170 = arith.cmpi slt, %add3A_168, %lt3A_169 : i32
      %convert_element_type3A_171 = arith.extui %lt3A_170 : i1 to i32
      %cond3A_172 = arith.constant 0 : i32
      %cond3A_173 = arith.cmpi ne, %convert_element_type3A_171, %cond3A_172 : i32
      scf.if %cond3A_173 {
        %add3A_324 = arith.constant 8 : i32
        %add3A_325 = arith.addi %add3A_150, %add3A_324 : i32
        %dma_start3A_326 = arith.constant 1 : i32
        %dma_start3A_327 = arith.constant 1 : i32
        %dma_start3A_328 = arith.constant 0 : i32
        %dma_start3A_329 = arith.constant 0 : i32
        %dma_start3A_330 = tpu.memref_slice %arg6[%dma_start3A_326, %dma_start3A_328, %dma_start3A_329] : memref<8x128x64xf32, #tpu.memory_space<vmem>> -> memref<1x128x64xf32, #tpu.memory_space<vmem>>
        %dma_start3A_331 = tpu.memref_squeeze %dma_start3A_330 : memref<1x128x64xf32, #tpu.memory_space<vmem>> -> memref<128x64xf32, #tpu.memory_space<vmem>>
        %dma_start3A_332 = arith.constant 0 : i32
        %dma_start3A_333 = tpu.memref_slice %arg5[%add3A_325, %dma_start3A_332] : memref<200x128xi32, #tpu.memory_space<vmem>> -> memref<1x128xi32, #tpu.memory_space<vmem>>
        %dma_start3A_334 = tpu.memref_squeeze %dma_start3A_333 : memref<1x128xi32, #tpu.memory_space<vmem>> -> memref<128xi32, #tpu.memory_space<vmem>>
        %dma_start3A_335 = arith.constant 0 : i32
        %dma_start3A_336 = arith.constant 0 : i32
        %dma_start3A_337 = tpu.memref_slice %arg3[%dma_start3A_335, %dma_start3A_336] : memref<1000000x64xf32, #tpu.memory_space<hbm>> -> memref<1000000x64xf32, #tpu.memory_space<hbm>>
        %dma_start3A_338 = tpu.memref_slice %arg7[%dma_start3A_327] : memref<8x!tpu.dma_semaphore, #tpu.memory_space<semaphore_mem>> -> memref<1x!tpu.dma_semaphore, #tpu.memory_space<semaphore_mem>>
        %dma_start3A_339 = tpu.memref_squeeze %dma_start3A_338 : memref<1x!tpu.dma_semaphore, #tpu.memory_space<semaphore_mem>> -> memref<!tpu.dma_semaphore, #tpu.memory_space<semaphore_mem>>
        tpu.enqueue_indirect_dma source(%dma_start3A_337 : memref<1000000x64xf32, #tpu.memory_space<hbm>>) target(%dma_start3A_331 : memref<128x64xf32, #tpu.memory_space<vmem>>) offsets(%dma_start3A_334 : memref<128xi32, #tpu.memory_space<vmem>>) semaphore(%dma_start3A_339 : memref<!tpu.dma_semaphore, #tpu.memory_space<semaphore_mem>>)
      } else {
      }
      %add3A_174 = arith.constant 2 : i32
      %add3A_175 = arith.addi %add3A_128, %add3A_174 : i32
      %dma_wait3A_176 = arith.constant 2 : i32
      %dma_wait3A_177 = arith.constant 2 : i32
      %dma_wait3A_178 = arith.constant 2 : i32
      %dma_wait3A_179 = arith.constant 0 : i32
      %dma_wait3A_180 = arith.constant 0 : i32
      %dma_wait3A_181 = tpu.memref_slice %arg6[%dma_wait3A_177, %dma_wait3A_179, %dma_wait3A_180] : memref<8x128x64xf32, #tpu.memory_space<vmem>> -> memref<1x128x64xf32, #tpu.memory_space<vmem>>
      %dma_wait3A_182 = tpu.memref_squeeze %dma_wait3A_181 : memref<1x128x64xf32, #tpu.memory_space<vmem>> -> memref<128x64xf32, #tpu.memory_space<vmem>>
      %dma_wait3A_183 = arith.constant 0 : i32
      %dma_wait3A_184 = tpu.memref_slice %arg5[%dma_wait3A_176, %dma_wait3A_183] : memref<200x128xi32, #tpu.memory_space<vmem>> -> memref<1x128xi32, #tpu.memory_space<vmem>>
      %dma_wait3A_185 = tpu.memref_squeeze %dma_wait3A_184 : memref<1x128xi32, #tpu.memory_space<vmem>> -> memref<128xi32, #tpu.memory_space<vmem>>
      %dma_wait3A_186 = arith.constant 0 : i32
      %dma_wait3A_187 = arith.constant 0 : i32
      %dma_wait3A_188 = tpu.memref_slice %arg3[%dma_wait3A_186, %dma_wait3A_187] : memref<1000000x64xf32, #tpu.memory_space<hbm>> -> memref<1000000x64xf32, #tpu.memory_space<hbm>>
      %dma_wait3A_189 = tpu.memref_slice %arg7[%dma_wait3A_178] : memref<8x!tpu.dma_semaphore, #tpu.memory_space<semaphore_mem>> -> memref<1x!tpu.dma_semaphore, #tpu.memory_space<semaphore_mem>>
      %dma_wait3A_190 = tpu.memref_squeeze %dma_wait3A_189 : memref<1x!tpu.dma_semaphore, #tpu.memory_space<semaphore_mem>> -> memref<!tpu.dma_semaphore, #tpu.memory_space<semaphore_mem>>
      tpu.wait_indirect_dma semaphore(%dma_wait3A_190 : memref<!tpu.dma_semaphore, #tpu.memory_space<semaphore_mem>>) src(%dma_wait3A_188 : memref<1000000x64xf32, #tpu.memory_space<hbm>>) dst(%dma_wait3A_182 : memref<128x64xf32, #tpu.memory_space<vmem>>)
      %run_scoped3A_191 = arith.constant 2 : i32
      "tpu.region"() ({
        %run_scoped3A_324 = tpu.sem_alloc : memref<!tpu.dma_semaphore, #tpu.memory_space<semaphore_mem>>
        %dma_start3A_325 = arith.constant 0 : i32
        %dma_start3A_326 = arith.constant 0 : i32
        %dma_start3A_327 = tpu.memref_slice %arg6[%run_scoped3A_191, %dma_start3A_325, %dma_start3A_326] : memref<8x128x64xf32, #tpu.memory_space<vmem>> -> memref<1x128x64xf32, #tpu.memory_space<vmem>>
        %dma_start3A_328 = tpu.memref_squeeze %dma_start3A_327 : memref<1x128x64xf32, #tpu.memory_space<vmem>> -> memref<128x64xf32, #tpu.memory_space<vmem>>
        %dma_start3A_329 = arith.constant 0 : i32
        %dma_start3A_330 = arith.constant 0 : i32
        %dma_start3A_331 = tpu.memref_slice %arg4[%add3A, %add3A_175, %dma_start3A_329, %dma_start3A_330] : memref<32x200x128x64xf32, #tpu.memory_space<hbm>> -> memref<1x1x128x64xf32, #tpu.memory_space<hbm>>
        %dma_start3A_332 = tpu.memref_squeeze %dma_start3A_331 : memref<1x1x128x64xf32, #tpu.memory_space<hbm>> -> memref<128x64xf32, #tpu.memory_space<hbm>>
        %dma_start3A_333 = arith.constant 0 : i32
        %dma_start3A_334 = arith.constant 0 : i32
        %dma_start3A_335 = tpu.memref_slice %arg4[%add3A, %add3A_175, %dma_start3A_333, %dma_start3A_334] : memref<32x200x128x64xf32, #tpu.memory_space<hbm>> -> memref<1x1x128x64xf32, #tpu.memory_space<hbm>>
        %dma_start3A_336 = tpu.memref_squeeze %dma_start3A_335 : memref<1x1x128x64xf32, #tpu.memory_space<hbm>> -> memref<128x64xf32, #tpu.memory_space<hbm>>
        %dma_start3A_337 = arith.constant 0 : i32
        %dma_start3A_338 = arith.constant 0 : i32
        %dma_start3A_339 = tpu.memref_slice %arg6[%run_scoped3A_191, %dma_start3A_337, %dma_start3A_338] : memref<8x128x64xf32, #tpu.memory_space<vmem>> -> memref<1x128x64xf32, #tpu.memory_space<vmem>>
        %dma_start3A_340 = tpu.memref_squeeze %dma_start3A_339 : memref<1x128x64xf32, #tpu.memory_space<vmem>> -> memref<128x64xf32, #tpu.memory_space<vmem>>
        tpu.enqueue_dma source(%dma_start3A_340 : memref<128x64xf32, #tpu.memory_space<vmem>>) target(%dma_start3A_336 : memref<128x64xf32, #tpu.memory_space<hbm>>) target_semaphore(%run_scoped3A_324 : memref<!tpu.dma_semaphore, #tpu.memory_space<semaphore_mem>>)
        %dma_wait3A_341 = arith.constant 0 : i32
        %dma_wait3A_342 = arith.constant 0 : i32
        %dma_wait3A_343 = tpu.memref_slice %arg6[%run_scoped3A_191, %dma_wait3A_341, %dma_wait3A_342] : memref<8x128x64xf32, #tpu.memory_space<vmem>> -> memref<1x128x64xf32, #tpu.memory_space<vmem>>
        %dma_wait3A_344 = tpu.memref_squeeze %dma_wait3A_343 : memref<1x128x64xf32, #tpu.memory_space<vmem>> -> memref<128x64xf32, #tpu.memory_space<vmem>>
        %dma_wait3A_345 = arith.constant 0 : i32
        %dma_wait3A_346 = arith.constant 0 : i32
        %dma_wait3A_347 = tpu.memref_slice %arg4[%add3A, %add3A_175, %dma_wait3A_345, %dma_wait3A_346] : memref<32x200x128x64xf32, #tpu.memory_space<hbm>> -> memref<1x1x128x64xf32, #tpu.memory_space<hbm>>
        %dma_wait3A_348 = tpu.memref_squeeze %dma_wait3A_347 : memref<1x1x128x64xf32, #tpu.memory_space<hbm>> -> memref<128x64xf32, #tpu.memory_space<hbm>>
        %dma_wait3A_349 = arith.constant 0 : i32
        %dma_wait3A_350 = arith.constant 0 : i32
        %dma_wait3A_351 = tpu.memref_slice %arg4[%add3A, %add3A_175, %dma_wait3A_349, %dma_wait3A_350] : memref<32x200x128x64xf32, #tpu.memory_space<hbm>> -> memref<1x1x128x64xf32, #tpu.memory_space<hbm>>
        %dma_wait3A_352 = tpu.memref_squeeze %dma_wait3A_351 : memref<1x1x128x64xf32, #tpu.memory_space<hbm>> -> memref<128x64xf32, #tpu.memory_space<hbm>>
        %dma_wait3A_353 = arith.constant 0 : i32
        %dma_wait3A_354 = arith.constant 0 : i32
        %dma_wait3A_355 = tpu.memref_slice %arg6[%run_scoped3A_191, %dma_wait3A_353, %dma_wait3A_354] : memref<8x128x64xf32, #tpu.memory_space<vmem>> -> memref<1x128x64xf32, #tpu.memory_space<vmem>>
        %dma_wait3A_356 = tpu.memref_squeeze %dma_wait3A_355 : memref<1x128x64xf32, #tpu.memory_space<vmem>> -> memref<128x64xf32, #tpu.memory_space<vmem>>
        tpu.wait_dma2 semaphore(%run_scoped3A_324 : memref<!tpu.dma_semaphore, #tpu.memory_space<semaphore_mem>>) src(%dma_wait3A_356 : memref<128x64xf32, #tpu.memory_space<vmem>>) dst(%dma_wait3A_352 : memref<128x64xf32, #tpu.memory_space<hbm>>)
        tpu.yield
      }) : () -> ()
      %add3A_192 = arith.constant 8 : i32
      %add3A_193 = arith.addi %add3A_175, %add3A_192 : i32
      %lt3A_194 = arith.constant 200 : i32
      %lt3A_195 = arith.cmpi slt, %add3A_193, %lt3A_194 : i32
      %convert_element_type3A_196 = arith.extui %lt3A_195 : i1 to i32
      %cond3A_197 = arith.constant 0 : i32
      %cond3A_198 = arith.cmpi ne, %convert_element_type3A_196, %cond3A_197 : i32
      scf.if %cond3A_198 {
        %add3A_324 = arith.constant 8 : i32
        %add3A_325 = arith.addi %add3A_175, %add3A_324 : i32
        %dma_start3A_326 = arith.constant 2 : i32
        %dma_start3A_327 = arith.constant 2 : i32
        %dma_start3A_328 = arith.constant 0 : i32
        %dma_start3A_329 = arith.constant 0 : i32
        %dma_start3A_330 = tpu.memref_slice %arg6[%dma_start3A_326, %dma_start3A_328, %dma_start3A_329] : memref<8x128x64xf32, #tpu.memory_space<vmem>> -> memref<1x128x64xf32, #tpu.memory_space<vmem>>
        %dma_start3A_331 = tpu.memref_squeeze %dma_start3A_330 : memref<1x128x64xf32, #tpu.memory_space<vmem>> -> memref<128x64xf32, #tpu.memory_space<vmem>>
        %dma_start3A_332 = arith.constant 0 : i32
        %dma_start3A_333 = tpu.memref_slice %arg5[%add3A_325, %dma_start3A_332] : memref<200x128xi32, #tpu.memory_space<vmem>> -> memref<1x128xi32, #tpu.memory_space<vmem>>
        %dma_start3A_334 = tpu.memref_squeeze %dma_start3A_333 : memref<1x128xi32, #tpu.memory_space<vmem>> -> memref<128xi32, #tpu.memory_space<vmem>>
        %dma_start3A_335 = arith.constant 0 : i32
        %dma_start3A_336 = arith.constant 0 : i32
        %dma_start3A_337 = tpu.memref_slice %arg3[%dma_start3A_335, %dma_start3A_336] : memref<1000000x64xf32, #tpu.memory_space<hbm>> -> memref<1000000x64xf32, #tpu.memory_space<hbm>>
        %dma_start3A_338 = tpu.memref_slice %arg7[%dma_start3A_327] : memref<8x!tpu.dma_semaphore, #tpu.memory_space<semaphore_mem>> -> memref<1x!tpu.dma_semaphore, #tpu.memory_space<semaphore_mem>>
        %dma_start3A_339 = tpu.memref_squeeze %dma_start3A_338 : memref<1x!tpu.dma_semaphore, #tpu.memory_space<semaphore_mem>> -> memref<!tpu.dma_semaphore, #tpu.memory_space<semaphore_mem>>
        tpu.enqueue_indirect_dma source(%dma_start3A_337 : memref<1000000x64xf32, #tpu.memory_space<hbm>>) target(%dma_start3A_331 : memref<128x64xf32, #tpu.memory_space<vmem>>) offsets(%dma_start3A_334 : memref<128xi32, #tpu.memory_space<vmem>>) semaphore(%dma_start3A_339 : memref<!tpu.dma_semaphore, #tpu.memory_space<semaphore_mem>>)
      } else {
      }
      %add3A_199 = arith.constant 3 : i32
      %add3A_200 = arith.addi %add3A_128, %add3A_199 : i32
      %dma_wait3A_201 = arith.constant 3 : i32
      %dma_wait3A_202 = arith.constant 3 : i32
      %dma_wait3A_203 = arith.constant 3 : i32
      %dma_wait3A_204 = arith.constant 0 : i32
      %dma_wait3A_205 = arith.constant 0 : i32
      %dma_wait3A_206 = tpu.memref_slice %arg6[%dma_wait3A_202, %dma_wait3A_204, %dma_wait3A_205] : memref<8x128x64xf32, #tpu.memory_space<vmem>> -> memref<1x128x64xf32, #tpu.memory_space<vmem>>
      %dma_wait3A_207 = tpu.memref_squeeze %dma_wait3A_206 : memref<1x128x64xf32, #tpu.memory_space<vmem>> -> memref<128x64xf32, #tpu.memory_space<vmem>>
      %dma_wait3A_208 = arith.constant 0 : i32
      %dma_wait3A_209 = tpu.memref_slice %arg5[%dma_wait3A_201, %dma_wait3A_208] : memref<200x128xi32, #tpu.memory_space<vmem>> -> memref<1x128xi32, #tpu.memory_space<vmem>>
      %dma_wait3A_210 = tpu.memref_squeeze %dma_wait3A_209 : memref<1x128xi32, #tpu.memory_space<vmem>> -> memref<128xi32, #tpu.memory_space<vmem>>
      %dma_wait3A_211 = arith.constant 0 : i32
      %dma_wait3A_212 = arith.constant 0 : i32
      %dma_wait3A_213 = tpu.memref_slice %arg3[%dma_wait3A_211, %dma_wait3A_212] : memref<1000000x64xf32, #tpu.memory_space<hbm>> -> memref<1000000x64xf32, #tpu.memory_space<hbm>>
      %dma_wait3A_214 = tpu.memref_slice %arg7[%dma_wait3A_203] : memref<8x!tpu.dma_semaphore, #tpu.memory_space<semaphore_mem>> -> memref<1x!tpu.dma_semaphore, #tpu.memory_space<semaphore_mem>>
      %dma_wait3A_215 = tpu.memref_squeeze %dma_wait3A_214 : memref<1x!tpu.dma_semaphore, #tpu.memory_space<semaphore_mem>> -> memref<!tpu.dma_semaphore, #tpu.memory_space<semaphore_mem>>
      tpu.wait_indirect_dma semaphore(%dma_wait3A_215 : memref<!tpu.dma_semaphore, #tpu.memory_space<semaphore_mem>>) src(%dma_wait3A_213 : memref<1000000x64xf32, #tpu.memory_space<hbm>>) dst(%dma_wait3A_207 : memref<128x64xf32, #tpu.memory_space<vmem>>)
      %run_scoped3A_216 = arith.constant 3 : i32
      "tpu.region"() ({
        %run_scoped3A_324 = tpu.sem_alloc : memref<!tpu.dma_semaphore, #tpu.memory_space<semaphore_mem>>
        %dma_start3A_325 = arith.constant 0 : i32
        %dma_start3A_326 = arith.constant 0 : i32
        %dma_start3A_327 = tpu.memref_slice %arg6[%run_scoped3A_216, %dma_start3A_325, %dma_start3A_326] : memref<8x128x64xf32, #tpu.memory_space<vmem>> -> memref<1x128x64xf32, #tpu.memory_space<vmem>>
        %dma_start3A_328 = tpu.memref_squeeze %dma_start3A_327 : memref<1x128x64xf32, #tpu.memory_space<vmem>> -> memref<128x64xf32, #tpu.memory_space<vmem>>
        %dma_start3A_329 = arith.constant 0 : i32
        %dma_start3A_330 = arith.constant 0 : i32
        %dma_start3A_331 = tpu.memref_slice %arg4[%add3A, %add3A_200, %dma_start3A_329, %dma_start3A_330] : memref<32x200x128x64xf32, #tpu.memory_space<hbm>> -> memref<1x1x128x64xf32, #tpu.memory_space<hbm>>
        %dma_start3A_332 = tpu.memref_squeeze %dma_start3A_331 : memref<1x1x128x64xf32, #tpu.memory_space<hbm>> -> memref<128x64xf32, #tpu.memory_space<hbm>>
        %dma_start3A_333 = arith.constant 0 : i32
        %dma_start3A_334 = arith.constant 0 : i32
        %dma_start3A_335 = tpu.memref_slice %arg4[%add3A, %add3A_200, %dma_start3A_333, %dma_start3A_334] : memref<32x200x128x64xf32, #tpu.memory_space<hbm>> -> memref<1x1x128x64xf32, #tpu.memory_space<hbm>>
        %dma_start3A_336 = tpu.memref_squeeze %dma_start3A_335 : memref<1x1x128x64xf32, #tpu.memory_space<hbm>> -> memref<128x64xf32, #tpu.memory_space<hbm>>
        %dma_start3A_337 = arith.constant 0 : i32
        %dma_start3A_338 = arith.constant 0 : i32
        %dma_start3A_339 = tpu.memref_slice %arg6[%run_scoped3A_216, %dma_start3A_337, %dma_start3A_338] : memref<8x128x64xf32, #tpu.memory_space<vmem>> -> memref<1x128x64xf32, #tpu.memory_space<vmem>>
        %dma_start3A_340 = tpu.memref_squeeze %dma_start3A_339 : memref<1x128x64xf32, #tpu.memory_space<vmem>> -> memref<128x64xf32, #tpu.memory_space<vmem>>
        tpu.enqueue_dma source(%dma_start3A_340 : memref<128x64xf32, #tpu.memory_space<vmem>>) target(%dma_start3A_336 : memref<128x64xf32, #tpu.memory_space<hbm>>) target_semaphore(%run_scoped3A_324 : memref<!tpu.dma_semaphore, #tpu.memory_space<semaphore_mem>>)
        %dma_wait3A_341 = arith.constant 0 : i32
        %dma_wait3A_342 = arith.constant 0 : i32
        %dma_wait3A_343 = tpu.memref_slice %arg6[%run_scoped3A_216, %dma_wait3A_341, %dma_wait3A_342] : memref<8x128x64xf32, #tpu.memory_space<vmem>> -> memref<1x128x64xf32, #tpu.memory_space<vmem>>
        %dma_wait3A_344 = tpu.memref_squeeze %dma_wait3A_343 : memref<1x128x64xf32, #tpu.memory_space<vmem>> -> memref<128x64xf32, #tpu.memory_space<vmem>>
        %dma_wait3A_345 = arith.constant 0 : i32
        %dma_wait3A_346 = arith.constant 0 : i32
        %dma_wait3A_347 = tpu.memref_slice %arg4[%add3A, %add3A_200, %dma_wait3A_345, %dma_wait3A_346] : memref<32x200x128x64xf32, #tpu.memory_space<hbm>> -> memref<1x1x128x64xf32, #tpu.memory_space<hbm>>
        %dma_wait3A_348 = tpu.memref_squeeze %dma_wait3A_347 : memref<1x1x128x64xf32, #tpu.memory_space<hbm>> -> memref<128x64xf32, #tpu.memory_space<hbm>>
        %dma_wait3A_349 = arith.constant 0 : i32
        %dma_wait3A_350 = arith.constant 0 : i32
        %dma_wait3A_351 = tpu.memref_slice %arg4[%add3A, %add3A_200, %dma_wait3A_349, %dma_wait3A_350] : memref<32x200x128x64xf32, #tpu.memory_space<hbm>> -> memref<1x1x128x64xf32, #tpu.memory_space<hbm>>
        %dma_wait3A_352 = tpu.memref_squeeze %dma_wait3A_351 : memref<1x1x128x64xf32, #tpu.memory_space<hbm>> -> memref<128x64xf32, #tpu.memory_space<hbm>>
        %dma_wait3A_353 = arith.constant 0 : i32
        %dma_wait3A_354 = arith.constant 0 : i32
        %dma_wait3A_355 = tpu.memref_slice %arg6[%run_scoped3A_216, %dma_wait3A_353, %dma_wait3A_354] : memref<8x128x64xf32, #tpu.memory_space<vmem>> -> memref<1x128x64xf32, #tpu.memory_space<vmem>>
        %dma_wait3A_356 = tpu.memref_squeeze %dma_wait3A_355 : memref<1x128x64xf32, #tpu.memory_space<vmem>> -> memref<128x64xf32, #tpu.memory_space<vmem>>
        tpu.wait_dma2 semaphore(%run_scoped3A_324 : memref<!tpu.dma_semaphore, #tpu.memory_space<semaphore_mem>>) src(%dma_wait3A_356 : memref<128x64xf32, #tpu.memory_space<vmem>>) dst(%dma_wait3A_352 : memref<128x64xf32, #tpu.memory_space<hbm>>)
        tpu.yield
      }) : () -> ()
      %add3A_217 = arith.constant 8 : i32
      %add3A_218 = arith.addi %add3A_200, %add3A_217 : i32
      %lt3A_219 = arith.constant 200 : i32
      %lt3A_220 = arith.cmpi slt, %add3A_218, %lt3A_219 : i32
      %convert_element_type3A_221 = arith.extui %lt3A_220 : i1 to i32
      %cond3A_222 = arith.constant 0 : i32
      %cond3A_223 = arith.cmpi ne, %convert_element_type3A_221, %cond3A_222 : i32
      scf.if %cond3A_223 {
        %add3A_324 = arith.constant 8 : i32
        %add3A_325 = arith.addi %add3A_200, %add3A_324 : i32
        %dma_start3A_326 = arith.constant 3 : i32
        %dma_start3A_327 = arith.constant 3 : i32
        %dma_start3A_328 = arith.constant 0 : i32
        %dma_start3A_329 = arith.constant 0 : i32
        %dma_start3A_330 = tpu.memref_slice %arg6[%dma_start3A_326, %dma_start3A_328, %dma_start3A_329] : memref<8x128x64xf32, #tpu.memory_space<vmem>> -> memref<1x128x64xf32, #tpu.memory_space<vmem>>
        %dma_start3A_331 = tpu.memref_squeeze %dma_start3A_330 : memref<1x128x64xf32, #tpu.memory_space<vmem>> -> memref<128x64xf32, #tpu.memory_space<vmem>>
        %dma_start3A_332 = arith.constant 0 : i32
        %dma_start3A_333 = tpu.memref_slice %arg5[%add3A_325, %dma_start3A_332] : memref<200x128xi32, #tpu.memory_space<vmem>> -> memref<1x128xi32, #tpu.memory_space<vmem>>
        %dma_start3A_334 = tpu.memref_squeeze %dma_start3A_333 : memref<1x128xi32, #tpu.memory_space<vmem>> -> memref<128xi32, #tpu.memory_space<vmem>>
        %dma_start3A_335 = arith.constant 0 : i32
        %dma_start3A_336 = arith.constant 0 : i32
        %dma_start3A_337 = tpu.memref_slice %arg3[%dma_start3A_335, %dma_start3A_336] : memref<1000000x64xf32, #tpu.memory_space<hbm>> -> memref<1000000x64xf32, #tpu.memory_space<hbm>>
        %dma_start3A_338 = tpu.memref_slice %arg7[%dma_start3A_327] : memref<8x!tpu.dma_semaphore, #tpu.memory_space<semaphore_mem>> -> memref<1x!tpu.dma_semaphore, #tpu.memory_space<semaphore_mem>>
        %dma_start3A_339 = tpu.memref_squeeze %dma_start3A_338 : memref<1x!tpu.dma_semaphore, #tpu.memory_space<semaphore_mem>> -> memref<!tpu.dma_semaphore, #tpu.memory_space<semaphore_mem>>
        tpu.enqueue_indirect_dma source(%dma_start3A_337 : memref<1000000x64xf32, #tpu.memory_space<hbm>>) target(%dma_start3A_331 : memref<128x64xf32, #tpu.memory_space<vmem>>) offsets(%dma_start3A_334 : memref<128xi32, #tpu.memory_space<vmem>>) semaphore(%dma_start3A_339 : memref<!tpu.dma_semaphore, #tpu.memory_space<semaphore_mem>>)
      } else {
      }
      %add3A_224 = arith.constant 4 : i32
      %add3A_225 = arith.addi %add3A_128, %add3A_224 : i32
      %dma_wait3A_226 = arith.constant 4 : i32
      %dma_wait3A_227 = arith.constant 4 : i32
      %dma_wait3A_228 = arith.constant 4 : i32
      %dma_wait3A_229 = arith.constant 0 : i32
      %dma_wait3A_230 = arith.constant 0 : i32
      %dma_wait3A_231 = tpu.memref_slice %arg6[%dma_wait3A_227, %dma_wait3A_229, %dma_wait3A_230] : memref<8x128x64xf32, #tpu.memory_space<vmem>> -> memref<1x128x64xf32, #tpu.memory_space<vmem>>
      %dma_wait3A_232 = tpu.memref_squeeze %dma_wait3A_231 : memref<1x128x64xf32, #tpu.memory_space<vmem>> -> memref<128x64xf32, #tpu.memory_space<vmem>>
      %dma_wait3A_233 = arith.constant 0 : i32
      %dma_wait3A_234 = tpu.memref_slice %arg5[%dma_wait3A_226, %dma_wait3A_233] : memref<200x128xi32, #tpu.memory_space<vmem>> -> memref<1x128xi32, #tpu.memory_space<vmem>>
      %dma_wait3A_235 = tpu.memref_squeeze %dma_wait3A_234 : memref<1x128xi32, #tpu.memory_space<vmem>> -> memref<128xi32, #tpu.memory_space<vmem>>
      %dma_wait3A_236 = arith.constant 0 : i32
      %dma_wait3A_237 = arith.constant 0 : i32
      %dma_wait3A_238 = tpu.memref_slice %arg3[%dma_wait3A_236, %dma_wait3A_237] : memref<1000000x64xf32, #tpu.memory_space<hbm>> -> memref<1000000x64xf32, #tpu.memory_space<hbm>>
      %dma_wait3A_239 = tpu.memref_slice %arg7[%dma_wait3A_228] : memref<8x!tpu.dma_semaphore, #tpu.memory_space<semaphore_mem>> -> memref<1x!tpu.dma_semaphore, #tpu.memory_space<semaphore_mem>>
      %dma_wait3A_240 = tpu.memref_squeeze %dma_wait3A_239 : memref<1x!tpu.dma_semaphore, #tpu.memory_space<semaphore_mem>> -> memref<!tpu.dma_semaphore, #tpu.memory_space<semaphore_mem>>
      tpu.wait_indirect_dma semaphore(%dma_wait3A_240 : memref<!tpu.dma_semaphore, #tpu.memory_space<semaphore_mem>>) src(%dma_wait3A_238 : memref<1000000x64xf32, #tpu.memory_space<hbm>>) dst(%dma_wait3A_232 : memref<128x64xf32, #tpu.memory_space<vmem>>)
      %run_scoped3A_241 = arith.constant 4 : i32
      "tpu.region"() ({
        %run_scoped3A_324 = tpu.sem_alloc : memref<!tpu.dma_semaphore, #tpu.memory_space<semaphore_mem>>
        %dma_start3A_325 = arith.constant 0 : i32
        %dma_start3A_326 = arith.constant 0 : i32
        %dma_start3A_327 = tpu.memref_slice %arg6[%run_scoped3A_241, %dma_start3A_325, %dma_start3A_326] : memref<8x128x64xf32, #tpu.memory_space<vmem>> -> memref<1x128x64xf32, #tpu.memory_space<vmem>>
        %dma_start3A_328 = tpu.memref_squeeze %dma_start3A_327 : memref<1x128x64xf32, #tpu.memory_space<vmem>> -> memref<128x64xf32, #tpu.memory_space<vmem>>
        %dma_start3A_329 = arith.constant 0 : i32
        %dma_start3A_330 = arith.constant 0 : i32
        %dma_start3A_331 = tpu.memref_slice %arg4[%add3A, %add3A_225, %dma_start3A_329, %dma_start3A_330] : memref<32x200x128x64xf32, #tpu.memory_space<hbm>> -> memref<1x1x128x64xf32, #tpu.memory_space<hbm>>
        %dma_start3A_332 = tpu.memref_squeeze %dma_start3A_331 : memref<1x1x128x64xf32, #tpu.memory_space<hbm>> -> memref<128x64xf32, #tpu.memory_space<hbm>>
        %dma_start3A_333 = arith.constant 0 : i32
        %dma_start3A_334 = arith.constant 0 : i32
        %dma_start3A_335 = tpu.memref_slice %arg4[%add3A, %add3A_225, %dma_start3A_333, %dma_start3A_334] : memref<32x200x128x64xf32, #tpu.memory_space<hbm>> -> memref<1x1x128x64xf32, #tpu.memory_space<hbm>>
        %dma_start3A_336 = tpu.memref_squeeze %dma_start3A_335 : memref<1x1x128x64xf32, #tpu.memory_space<hbm>> -> memref<128x64xf32, #tpu.memory_space<hbm>>
        %dma_start3A_337 = arith.constant 0 : i32
        %dma_start3A_338 = arith.constant 0 : i32
        %dma_start3A_339 = tpu.memref_slice %arg6[%run_scoped3A_241, %dma_start3A_337, %dma_start3A_338] : memref<8x128x64xf32, #tpu.memory_space<vmem>> -> memref<1x128x64xf32, #tpu.memory_space<vmem>>
        %dma_start3A_340 = tpu.memref_squeeze %dma_start3A_339 : memref<1x128x64xf32, #tpu.memory_space<vmem>> -> memref<128x64xf32, #tpu.memory_space<vmem>>
        tpu.enqueue_dma source(%dma_start3A_340 : memref<128x64xf32, #tpu.memory_space<vmem>>) target(%dma_start3A_336 : memref<128x64xf32, #tpu.memory_space<hbm>>) target_semaphore(%run_scoped3A_324 : memref<!tpu.dma_semaphore, #tpu.memory_space<semaphore_mem>>)
        %dma_wait3A_341 = arith.constant 0 : i32
        %dma_wait3A_342 = arith.constant 0 : i32
        %dma_wait3A_343 = tpu.memref_slice %arg6[%run_scoped3A_241, %dma_wait3A_341, %dma_wait3A_342] : memref<8x128x64xf32, #tpu.memory_space<vmem>> -> memref<1x128x64xf32, #tpu.memory_space<vmem>>
        %dma_wait3A_344 = tpu.memref_squeeze %dma_wait3A_343 : memref<1x128x64xf32, #tpu.memory_space<vmem>> -> memref<128x64xf32, #tpu.memory_space<vmem>>
        %dma_wait3A_345 = arith.constant 0 : i32
        %dma_wait3A_346 = arith.constant 0 : i32
        %dma_wait3A_347 = tpu.memref_slice %arg4[%add3A, %add3A_225, %dma_wait3A_345, %dma_wait3A_346] : memref<32x200x128x64xf32, #tpu.memory_space<hbm>> -> memref<1x1x128x64xf32, #tpu.memory_space<hbm>>
        %dma_wait3A_348 = tpu.memref_squeeze %dma_wait3A_347 : memref<1x1x128x64xf32, #tpu.memory_space<hbm>> -> memref<128x64xf32, #tpu.memory_space<hbm>>
        %dma_wait3A_349 = arith.constant 0 : i32
        %dma_wait3A_350 = arith.constant 0 : i32
        %dma_wait3A_351 = tpu.memref_slice %arg4[%add3A, %add3A_225, %dma_wait3A_349, %dma_wait3A_350] : memref<32x200x128x64xf32, #tpu.memory_space<hbm>> -> memref<1x1x128x64xf32, #tpu.memory_space<hbm>>
        %dma_wait3A_352 = tpu.memref_squeeze %dma_wait3A_351 : memref<1x1x128x64xf32, #tpu.memory_space<hbm>> -> memref<128x64xf32, #tpu.memory_space<hbm>>
        %dma_wait3A_353 = arith.constant 0 : i32
        %dma_wait3A_354 = arith.constant 0 : i32
        %dma_wait3A_355 = tpu.memref_slice %arg6[%run_scoped3A_241, %dma_wait3A_353, %dma_wait3A_354] : memref<8x128x64xf32, #tpu.memory_space<vmem>> -> memref<1x128x64xf32, #tpu.memory_space<vmem>>
        %dma_wait3A_356 = tpu.memref_squeeze %dma_wait3A_355 : memref<1x128x64xf32, #tpu.memory_space<vmem>> -> memref<128x64xf32, #tpu.memory_space<vmem>>
        tpu.wait_dma2 semaphore(%run_scoped3A_324 : memref<!tpu.dma_semaphore, #tpu.memory_space<semaphore_mem>>) src(%dma_wait3A_356 : memref<128x64xf32, #tpu.memory_space<vmem>>) dst(%dma_wait3A_352 : memref<128x64xf32, #tpu.memory_space<hbm>>)
        tpu.yield
      }) : () -> ()
      %add3A_242 = arith.constant 8 : i32
      %add3A_243 = arith.addi %add3A_225, %add3A_242 : i32
      %lt3A_244 = arith.constant 200 : i32
      %lt3A_245 = arith.cmpi slt, %add3A_243, %lt3A_244 : i32
      %convert_element_type3A_246 = arith.extui %lt3A_245 : i1 to i32
      %cond3A_247 = arith.constant 0 : i32
      %cond3A_248 = arith.cmpi ne, %convert_element_type3A_246, %cond3A_247 : i32
      scf.if %cond3A_248 {
        %add3A_324 = arith.constant 8 : i32
        %add3A_325 = arith.addi %add3A_225, %add3A_324 : i32
        %dma_start3A_326 = arith.constant 4 : i32
        %dma_start3A_327 = arith.constant 4 : i32
        %dma_start3A_328 = arith.constant 0 : i32
        %dma_start3A_329 = arith.constant 0 : i32
        %dma_start3A_330 = tpu.memref_slice %arg6[%dma_start3A_326, %dma_start3A_328, %dma_start3A_329] : memref<8x128x64xf32, #tpu.memory_space<vmem>> -> memref<1x128x64xf32, #tpu.memory_space<vmem>>
        %dma_start3A_331 = tpu.memref_squeeze %dma_start3A_330 : memref<1x128x64xf32, #tpu.memory_space<vmem>> -> memref<128x64xf32, #tpu.memory_space<vmem>>
        %dma_start3A_332 = arith.constant 0 : i32
        %dma_start3A_333 = tpu.memref_slice %arg5[%add3A_325, %dma_start3A_332] : memref<200x128xi32, #tpu.memory_space<vmem>> -> memref<1x128xi32, #tpu.memory_space<vmem>>
        %dma_start3A_334 = tpu.memref_squeeze %dma_start3A_333 : memref<1x128xi32, #tpu.memory_space<vmem>> -> memref<128xi32, #tpu.memory_space<vmem>>
        %dma_start3A_335 = arith.constant 0 : i32
        %dma_start3A_336 = arith.constant 0 : i32
        %dma_start3A_337 = tpu.memref_slice %arg3[%dma_start3A_335, %dma_start3A_336] : memref<1000000x64xf32, #tpu.memory_space<hbm>> -> memref<1000000x64xf32, #tpu.memory_space<hbm>>
        %dma_start3A_338 = tpu.memref_slice %arg7[%dma_start3A_327] : memref<8x!tpu.dma_semaphore, #tpu.memory_space<semaphore_mem>> -> memref<1x!tpu.dma_semaphore, #tpu.memory_space<semaphore_mem>>
        %dma_start3A_339 = tpu.memref_squeeze %dma_start3A_338 : memref<1x!tpu.dma_semaphore, #tpu.memory_space<semaphore_mem>> -> memref<!tpu.dma_semaphore, #tpu.memory_space<semaphore_mem>>
        tpu.enqueue_indirect_dma source(%dma_start3A_337 : memref<1000000x64xf32, #tpu.memory_space<hbm>>) target(%dma_start3A_331 : memref<128x64xf32, #tpu.memory_space<vmem>>) offsets(%dma_start3A_334 : memref<128xi32, #tpu.memory_space<vmem>>) semaphore(%dma_start3A_339 : memref<!tpu.dma_semaphore, #tpu.memory_space<semaphore_mem>>)
      } else {
      }
      %add3A_249 = arith.constant 5 : i32
      %add3A_250 = arith.addi %add3A_128, %add3A_249 : i32
      %dma_wait3A_251 = arith.constant 5 : i32
      %dma_wait3A_252 = arith.constant 5 : i32
      %dma_wait3A_253 = arith.constant 5 : i32
      %dma_wait3A_254 = arith.constant 0 : i32
      %dma_wait3A_255 = arith.constant 0 : i32
      %dma_wait3A_256 = tpu.memref_slice %arg6[%dma_wait3A_252, %dma_wait3A_254, %dma_wait3A_255] : memref<8x128x64xf32, #tpu.memory_space<vmem>> -> memref<1x128x64xf32, #tpu.memory_space<vmem>>
      %dma_wait3A_257 = tpu.memref_squeeze %dma_wait3A_256 : memref<1x128x64xf32, #tpu.memory_space<vmem>> -> memref<128x64xf32, #tpu.memory_space<vmem>>
      %dma_wait3A_258 = arith.constant 0 : i32
      %dma_wait3A_259 = tpu.memref_slice %arg5[%dma_wait3A_251, %dma_wait3A_258] : memref<200x128xi32, #tpu.memory_space<vmem>> -> memref<1x128xi32, #tpu.memory_space<vmem>>
      %dma_wait3A_260 = tpu.memref_squeeze %dma_wait3A_259 : memref<1x128xi32, #tpu.memory_space<vmem>> -> memref<128xi32, #tpu.memory_space<vmem>>
      %dma_wait3A_261 = arith.constant 0 : i32
      %dma_wait3A_262 = arith.constant 0 : i32
      %dma_wait3A_263 = tpu.memref_slice %arg3[%dma_wait3A_261, %dma_wait3A_262] : memref<1000000x64xf32, #tpu.memory_space<hbm>> -> memref<1000000x64xf32, #tpu.memory_space<hbm>>
      %dma_wait3A_264 = tpu.memref_slice %arg7[%dma_wait3A_253] : memref<8x!tpu.dma_semaphore, #tpu.memory_space<semaphore_mem>> -> memref<1x!tpu.dma_semaphore, #tpu.memory_space<semaphore_mem>>
      %dma_wait3A_265 = tpu.memref_squeeze %dma_wait3A_264 : memref<1x!tpu.dma_semaphore, #tpu.memory_space<semaphore_mem>> -> memref<!tpu.dma_semaphore, #tpu.memory_space<semaphore_mem>>
      tpu.wait_indirect_dma semaphore(%dma_wait3A_265 : memref<!tpu.dma_semaphore, #tpu.memory_space<semaphore_mem>>) src(%dma_wait3A_263 : memref<1000000x64xf32, #tpu.memory_space<hbm>>) dst(%dma_wait3A_257 : memref<128x64xf32, #tpu.memory_space<vmem>>)
      %run_scoped3A_266 = arith.constant 5 : i32
      "tpu.region"() ({
        %run_scoped3A_324 = tpu.sem_alloc : memref<!tpu.dma_semaphore, #tpu.memory_space<semaphore_mem>>
        %dma_start3A_325 = arith.constant 0 : i32
        %dma_start3A_326 = arith.constant 0 : i32
        %dma_start3A_327 = tpu.memref_slice %arg6[%run_scoped3A_266, %dma_start3A_325, %dma_start3A_326] : memref<8x128x64xf32, #tpu.memory_space<vmem>> -> memref<1x128x64xf32, #tpu.memory_space<vmem>>
        %dma_start3A_328 = tpu.memref_squeeze %dma_start3A_327 : memref<1x128x64xf32, #tpu.memory_space<vmem>> -> memref<128x64xf32, #tpu.memory_space<vmem>>
        %dma_start3A_329 = arith.constant 0 : i32
        %dma_start3A_330 = arith.constant 0 : i32
        %dma_start3A_331 = tpu.memref_slice %arg4[%add3A, %add3A_250, %dma_start3A_329, %dma_start3A_330] : memref<32x200x128x64xf32, #tpu.memory_space<hbm>> -> memref<1x1x128x64xf32, #tpu.memory_space<hbm>>
        %dma_start3A_332 = tpu.memref_squeeze %dma_start3A_331 : memref<1x1x128x64xf32, #tpu.memory_space<hbm>> -> memref<128x64xf32, #tpu.memory_space<hbm>>
        %dma_start3A_333 = arith.constant 0 : i32
        %dma_start3A_334 = arith.constant 0 : i32
        %dma_start3A_335 = tpu.memref_slice %arg4[%add3A, %add3A_250, %dma_start3A_333, %dma_start3A_334] : memref<32x200x128x64xf32, #tpu.memory_space<hbm>> -> memref<1x1x128x64xf32, #tpu.memory_space<hbm>>
        %dma_start3A_336 = tpu.memref_squeeze %dma_start3A_335 : memref<1x1x128x64xf32, #tpu.memory_space<hbm>> -> memref<128x64xf32, #tpu.memory_space<hbm>>
        %dma_start3A_337 = arith.constant 0 : i32
        %dma_start3A_338 = arith.constant 0 : i32
        %dma_start3A_339 = tpu.memref_slice %arg6[%run_scoped3A_266, %dma_start3A_337, %dma_start3A_338] : memref<8x128x64xf32, #tpu.memory_space<vmem>> -> memref<1x128x64xf32, #tpu.memory_space<vmem>>
        %dma_start3A_340 = tpu.memref_squeeze %dma_start3A_339 : memref<1x128x64xf32, #tpu.memory_space<vmem>> -> memref<128x64xf32, #tpu.memory_space<vmem>>
        tpu.enqueue_dma source(%dma_start3A_340 : memref<128x64xf32, #tpu.memory_space<vmem>>) target(%dma_start3A_336 : memref<128x64xf32, #tpu.memory_space<hbm>>) target_semaphore(%run_scoped3A_324 : memref<!tpu.dma_semaphore, #tpu.memory_space<semaphore_mem>>)
        %dma_wait3A_341 = arith.constant 0 : i32
        %dma_wait3A_342 = arith.constant 0 : i32
        %dma_wait3A_343 = tpu.memref_slice %arg6[%run_scoped3A_266, %dma_wait3A_341, %dma_wait3A_342] : memref<8x128x64xf32, #tpu.memory_space<vmem>> -> memref<1x128x64xf32, #tpu.memory_space<vmem>>
        %dma_wait3A_344 = tpu.memref_squeeze %dma_wait3A_343 : memref<1x128x64xf32, #tpu.memory_space<vmem>> -> memref<128x64xf32, #tpu.memory_space<vmem>>
        %dma_wait3A_345 = arith.constant 0 : i32
        %dma_wait3A_346 = arith.constant 0 : i32
        %dma_wait3A_347 = tpu.memref_slice %arg4[%add3A, %add3A_250, %dma_wait3A_345, %dma_wait3A_346] : memref<32x200x128x64xf32, #tpu.memory_space<hbm>> -> memref<1x1x128x64xf32, #tpu.memory_space<hbm>>
        %dma_wait3A_348 = tpu.memref_squeeze %dma_wait3A_347 : memref<1x1x128x64xf32, #tpu.memory_space<hbm>> -> memref<128x64xf32, #tpu.memory_space<hbm>>
        %dma_wait3A_349 = arith.constant 0 : i32
        %dma_wait3A_350 = arith.constant 0 : i32
        %dma_wait3A_351 = tpu.memref_slice %arg4[%add3A, %add3A_250, %dma_wait3A_349, %dma_wait3A_350] : memref<32x200x128x64xf32, #tpu.memory_space<hbm>> -> memref<1x1x128x64xf32, #tpu.memory_space<hbm>>
        %dma_wait3A_352 = tpu.memref_squeeze %dma_wait3A_351 : memref<1x1x128x64xf32, #tpu.memory_space<hbm>> -> memref<128x64xf32, #tpu.memory_space<hbm>>
        %dma_wait3A_353 = arith.constant 0 : i32
        %dma_wait3A_354 = arith.constant 0 : i32
        %dma_wait3A_355 = tpu.memref_slice %arg6[%run_scoped3A_266, %dma_wait3A_353, %dma_wait3A_354] : memref<8x128x64xf32, #tpu.memory_space<vmem>> -> memref<1x128x64xf32, #tpu.memory_space<vmem>>
        %dma_wait3A_356 = tpu.memref_squeeze %dma_wait3A_355 : memref<1x128x64xf32, #tpu.memory_space<vmem>> -> memref<128x64xf32, #tpu.memory_space<vmem>>
        tpu.wait_dma2 semaphore(%run_scoped3A_324 : memref<!tpu.dma_semaphore, #tpu.memory_space<semaphore_mem>>) src(%dma_wait3A_356 : memref<128x64xf32, #tpu.memory_space<vmem>>) dst(%dma_wait3A_352 : memref<128x64xf32, #tpu.memory_space<hbm>>)
        tpu.yield
      }) : () -> ()
      %add3A_267 = arith.constant 8 : i32
      %add3A_268 = arith.addi %add3A_250, %add3A_267 : i32
      %lt3A_269 = arith.constant 200 : i32
      %lt3A_270 = arith.cmpi slt, %add3A_268, %lt3A_269 : i32
      %convert_element_type3A_271 = arith.extui %lt3A_270 : i1 to i32
      %cond3A_272 = arith.constant 0 : i32
      %cond3A_273 = arith.cmpi ne, %convert_element_type3A_271, %cond3A_272 : i32
      scf.if %cond3A_273 {
        %add3A_324 = arith.constant 8 : i32
        %add3A_325 = arith.addi %add3A_250, %add3A_324 : i32
        %dma_start3A_326 = arith.constant 5 : i32
        %dma_start3A_327 = arith.constant 5 : i32
        %dma_start3A_328 = arith.constant 0 : i32
        %dma_start3A_329 = arith.constant 0 : i32
        %dma_start3A_330 = tpu.memref_slice %arg6[%dma_start3A_326, %dma_start3A_328, %dma_start3A_329] : memref<8x128x64xf32, #tpu.memory_space<vmem>> -> memref<1x128x64xf32, #tpu.memory_space<vmem>>
        %dma_start3A_331 = tpu.memref_squeeze %dma_start3A_330 : memref<1x128x64xf32, #tpu.memory_space<vmem>> -> memref<128x64xf32, #tpu.memory_space<vmem>>
        %dma_start3A_332 = arith.constant 0 : i32
        %dma_start3A_333 = tpu.memref_slice %arg5[%add3A_325, %dma_start3A_332] : memref<200x128xi32, #tpu.memory_space<vmem>> -> memref<1x128xi32, #tpu.memory_space<vmem>>
        %dma_start3A_334 = tpu.memref_squeeze %dma_start3A_333 : memref<1x128xi32, #tpu.memory_space<vmem>> -> memref<128xi32, #tpu.memory_space<vmem>>
        %dma_start3A_335 = arith.constant 0 : i32
        %dma_start3A_336 = arith.constant 0 : i32
        %dma_start3A_337 = tpu.memref_slice %arg3[%dma_start3A_335, %dma_start3A_336] : memref<1000000x64xf32, #tpu.memory_space<hbm>> -> memref<1000000x64xf32, #tpu.memory_space<hbm>>
        %dma_start3A_338 = tpu.memref_slice %arg7[%dma_start3A_327] : memref<8x!tpu.dma_semaphore, #tpu.memory_space<semaphore_mem>> -> memref<1x!tpu.dma_semaphore, #tpu.memory_space<semaphore_mem>>
        %dma_start3A_339 = tpu.memref_squeeze %dma_start3A_338 : memref<1x!tpu.dma_semaphore, #tpu.memory_space<semaphore_mem>> -> memref<!tpu.dma_semaphore, #tpu.memory_space<semaphore_mem>>
        tpu.enqueue_indirect_dma source(%dma_start3A_337 : memref<1000000x64xf32, #tpu.memory_space<hbm>>) target(%dma_start3A_331 : memref<128x64xf32, #tpu.memory_space<vmem>>) offsets(%dma_start3A_334 : memref<128xi32, #tpu.memory_space<vmem>>) semaphore(%dma_start3A_339 : memref<!tpu.dma_semaphore, #tpu.memory_space<semaphore_mem>>)
      } else {
      }
      %add3A_274 = arith.constant 6 : i32
      %add3A_275 = arith.addi %add3A_128, %add3A_274 : i32
      %dma_wait3A_276 = arith.constant 6 : i32
      %dma_wait3A_277 = arith.constant 6 : i32
      %dma_wait3A_278 = arith.constant 6 : i32
      %dma_wait3A_279 = arith.constant 0 : i32
      %dma_wait3A_280 = arith.constant 0 : i32
      %dma_wait3A_281 = tpu.memref_slice %arg6[%dma_wait3A_277, %dma_wait3A_279, %dma_wait3A_280] : memref<8x128x64xf32, #tpu.memory_space<vmem>> -> memref<1x128x64xf32, #tpu.memory_space<vmem>>
      %dma_wait3A_282 = tpu.memref_squeeze %dma_wait3A_281 : memref<1x128x64xf32, #tpu.memory_space<vmem>> -> memref<128x64xf32, #tpu.memory_space<vmem>>
      %dma_wait3A_283 = arith.constant 0 : i32
      %dma_wait3A_284 = tpu.memref_slice %arg5[%dma_wait3A_276, %dma_wait3A_283] : memref<200x128xi32, #tpu.memory_space<vmem>> -> memref<1x128xi32, #tpu.memory_space<vmem>>
      %dma_wait3A_285 = tpu.memref_squeeze %dma_wait3A_284 : memref<1x128xi32, #tpu.memory_space<vmem>> -> memref<128xi32, #tpu.memory_space<vmem>>
      %dma_wait3A_286 = arith.constant 0 : i32
      %dma_wait3A_287 = arith.constant 0 : i32
      %dma_wait3A_288 = tpu.memref_slice %arg3[%dma_wait3A_286, %dma_wait3A_287] : memref<1000000x64xf32, #tpu.memory_space<hbm>> -> memref<1000000x64xf32, #tpu.memory_space<hbm>>
      %dma_wait3A_289 = tpu.memref_slice %arg7[%dma_wait3A_278] : memref<8x!tpu.dma_semaphore, #tpu.memory_space<semaphore_mem>> -> memref<1x!tpu.dma_semaphore, #tpu.memory_space<semaphore_mem>>
      %dma_wait3A_290 = tpu.memref_squeeze %dma_wait3A_289 : memref<1x!tpu.dma_semaphore, #tpu.memory_space<semaphore_mem>> -> memref<!tpu.dma_semaphore, #tpu.memory_space<semaphore_mem>>
      tpu.wait_indirect_dma semaphore(%dma_wait3A_290 : memref<!tpu.dma_semaphore, #tpu.memory_space<semaphore_mem>>) src(%dma_wait3A_288 : memref<1000000x64xf32, #tpu.memory_space<hbm>>) dst(%dma_wait3A_282 : memref<128x64xf32, #tpu.memory_space<vmem>>)
      %run_scoped3A_291 = arith.constant 6 : i32
      "tpu.region"() ({
        %run_scoped3A_324 = tpu.sem_alloc : memref<!tpu.dma_semaphore, #tpu.memory_space<semaphore_mem>>
        %dma_start3A_325 = arith.constant 0 : i32
        %dma_start3A_326 = arith.constant 0 : i32
        %dma_start3A_327 = tpu.memref_slice %arg6[%run_scoped3A_291, %dma_start3A_325, %dma_start3A_326] : memref<8x128x64xf32, #tpu.memory_space<vmem>> -> memref<1x128x64xf32, #tpu.memory_space<vmem>>
        %dma_start3A_328 = tpu.memref_squeeze %dma_start3A_327 : memref<1x128x64xf32, #tpu.memory_space<vmem>> -> memref<128x64xf32, #tpu.memory_space<vmem>>
        %dma_start3A_329 = arith.constant 0 : i32
        %dma_start3A_330 = arith.constant 0 : i32
        %dma_start3A_331 = tpu.memref_slice %arg4[%add3A, %add3A_275, %dma_start3A_329, %dma_start3A_330] : memref<32x200x128x64xf32, #tpu.memory_space<hbm>> -> memref<1x1x128x64xf32, #tpu.memory_space<hbm>>
        %dma_start3A_332 = tpu.memref_squeeze %dma_start3A_331 : memref<1x1x128x64xf32, #tpu.memory_space<hbm>> -> memref<128x64xf32, #tpu.memory_space<hbm>>
        %dma_start3A_333 = arith.constant 0 : i32
        %dma_start3A_334 = arith.constant 0 : i32
        %dma_start3A_335 = tpu.memref_slice %arg4[%add3A, %add3A_275, %dma_start3A_333, %dma_start3A_334] : memref<32x200x128x64xf32, #tpu.memory_space<hbm>> -> memref<1x1x128x64xf32, #tpu.memory_space<hbm>>
        %dma_start3A_336 = tpu.memref_squeeze %dma_start3A_335 : memref<1x1x128x64xf32, #tpu.memory_space<hbm>> -> memref<128x64xf32, #tpu.memory_space<hbm>>
        %dma_start3A_337 = arith.constant 0 : i32
        %dma_start3A_338 = arith.constant 0 : i32
        %dma_start3A_339 = tpu.memref_slice %arg6[%run_scoped3A_291, %dma_start3A_337, %dma_start3A_338] : memref<8x128x64xf32, #tpu.memory_space<vmem>> -> memref<1x128x64xf32, #tpu.memory_space<vmem>>
        %dma_start3A_340 = tpu.memref_squeeze %dma_start3A_339 : memref<1x128x64xf32, #tpu.memory_space<vmem>> -> memref<128x64xf32, #tpu.memory_space<vmem>>
        tpu.enqueue_dma source(%dma_start3A_340 : memref<128x64xf32, #tpu.memory_space<vmem>>) target(%dma_start3A_336 : memref<128x64xf32, #tpu.memory_space<hbm>>) target_semaphore(%run_scoped3A_324 : memref<!tpu.dma_semaphore, #tpu.memory_space<semaphore_mem>>)
        %dma_wait3A_341 = arith.constant 0 : i32
        %dma_wait3A_342 = arith.constant 0 : i32
        %dma_wait3A_343 = tpu.memref_slice %arg6[%run_scoped3A_291, %dma_wait3A_341, %dma_wait3A_342] : memref<8x128x64xf32, #tpu.memory_space<vmem>> -> memref<1x128x64xf32, #tpu.memory_space<vmem>>
        %dma_wait3A_344 = tpu.memref_squeeze %dma_wait3A_343 : memref<1x128x64xf32, #tpu.memory_space<vmem>> -> memref<128x64xf32, #tpu.memory_space<vmem>>
        %dma_wait3A_345 = arith.constant 0 : i32
        %dma_wait3A_346 = arith.constant 0 : i32
        %dma_wait3A_347 = tpu.memref_slice %arg4[%add3A, %add3A_275, %dma_wait3A_345, %dma_wait3A_346] : memref<32x200x128x64xf32, #tpu.memory_space<hbm>> -> memref<1x1x128x64xf32, #tpu.memory_space<hbm>>
        %dma_wait3A_348 = tpu.memref_squeeze %dma_wait3A_347 : memref<1x1x128x64xf32, #tpu.memory_space<hbm>> -> memref<128x64xf32, #tpu.memory_space<hbm>>
        %dma_wait3A_349 = arith.constant 0 : i32
        %dma_wait3A_350 = arith.constant 0 : i32
        %dma_wait3A_351 = tpu.memref_slice %arg4[%add3A, %add3A_275, %dma_wait3A_349, %dma_wait3A_350] : memref<32x200x128x64xf32, #tpu.memory_space<hbm>> -> memref<1x1x128x64xf32, #tpu.memory_space<hbm>>
        %dma_wait3A_352 = tpu.memref_squeeze %dma_wait3A_351 : memref<1x1x128x64xf32, #tpu.memory_space<hbm>> -> memref<128x64xf32, #tpu.memory_space<hbm>>
        %dma_wait3A_353 = arith.constant 0 : i32
        %dma_wait3A_354 = arith.constant 0 : i32
        %dma_wait3A_355 = tpu.memref_slice %arg6[%run_scoped3A_291, %dma_wait3A_353, %dma_wait3A_354] : memref<8x128x64xf32, #tpu.memory_space<vmem>> -> memref<1x128x64xf32, #tpu.memory_space<vmem>>
        %dma_wait3A_356 = tpu.memref_squeeze %dma_wait3A_355 : memref<1x128x64xf32, #tpu.memory_space<vmem>> -> memref<128x64xf32, #tpu.memory_space<vmem>>
        tpu.wait_dma2 semaphore(%run_scoped3A_324 : memref<!tpu.dma_semaphore, #tpu.memory_space<semaphore_mem>>) src(%dma_wait3A_356 : memref<128x64xf32, #tpu.memory_space<vmem>>) dst(%dma_wait3A_352 : memref<128x64xf32, #tpu.memory_space<hbm>>)
        tpu.yield
      }) : () -> ()
      %add3A_292 = arith.constant 8 : i32
      %add3A_293 = arith.addi %add3A_275, %add3A_292 : i32
      %lt3A_294 = arith.constant 200 : i32
      %lt3A_295 = arith.cmpi slt, %add3A_293, %lt3A_294 : i32
      %convert_element_type3A_296 = arith.extui %lt3A_295 : i1 to i32
      %cond3A_297 = arith.constant 0 : i32
      %cond3A_298 = arith.cmpi ne, %convert_element_type3A_296, %cond3A_297 : i32
      scf.if %cond3A_298 {
        %add3A_324 = arith.constant 8 : i32
        %add3A_325 = arith.addi %add3A_275, %add3A_324 : i32
        %dma_start3A_326 = arith.constant 6 : i32
        %dma_start3A_327 = arith.constant 6 : i32
        %dma_start3A_328 = arith.constant 0 : i32
        %dma_start3A_329 = arith.constant 0 : i32
        %dma_start3A_330 = tpu.memref_slice %arg6[%dma_start3A_326, %dma_start3A_328, %dma_start3A_329] : memref<8x128x64xf32, #tpu.memory_space<vmem>> -> memref<1x128x64xf32, #tpu.memory_space<vmem>>
        %dma_start3A_331 = tpu.memref_squeeze %dma_start3A_330 : memref<1x128x64xf32, #tpu.memory_space<vmem>> -> memref<128x64xf32, #tpu.memory_space<vmem>>
        %dma_start3A_332 = arith.constant 0 : i32
        %dma_start3A_333 = tpu.memref_slice %arg5[%add3A_325, %dma_start3A_332] : memref<200x128xi32, #tpu.memory_space<vmem>> -> memref<1x128xi32, #tpu.memory_space<vmem>>
        %dma_start3A_334 = tpu.memref_squeeze %dma_start3A_333 : memref<1x128xi32, #tpu.memory_space<vmem>> -> memref<128xi32, #tpu.memory_space<vmem>>
        %dma_start3A_335 = arith.constant 0 : i32
        %dma_start3A_336 = arith.constant 0 : i32
        %dma_start3A_337 = tpu.memref_slice %arg3[%dma_start3A_335, %dma_start3A_336] : memref<1000000x64xf32, #tpu.memory_space<hbm>> -> memref<1000000x64xf32, #tpu.memory_space<hbm>>
        %dma_start3A_338 = tpu.memref_slice %arg7[%dma_start3A_327] : memref<8x!tpu.dma_semaphore, #tpu.memory_space<semaphore_mem>> -> memref<1x!tpu.dma_semaphore, #tpu.memory_space<semaphore_mem>>
        %dma_start3A_339 = tpu.memref_squeeze %dma_start3A_338 : memref<1x!tpu.dma_semaphore, #tpu.memory_space<semaphore_mem>> -> memref<!tpu.dma_semaphore, #tpu.memory_space<semaphore_mem>>
        tpu.enqueue_indirect_dma source(%dma_start3A_337 : memref<1000000x64xf32, #tpu.memory_space<hbm>>) target(%dma_start3A_331 : memref<128x64xf32, #tpu.memory_space<vmem>>) offsets(%dma_start3A_334 : memref<128xi32, #tpu.memory_space<vmem>>) semaphore(%dma_start3A_339 : memref<!tpu.dma_semaphore, #tpu.memory_space<semaphore_mem>>)
      } else {
      }
      %add3A_299 = arith.constant 7 : i32
      %add3A_300 = arith.addi %add3A_128, %add3A_299 : i32
      %dma_wait3A_301 = arith.constant 7 : i32
      %dma_wait3A_302 = arith.constant 7 : i32
      %dma_wait3A_303 = arith.constant 7 : i32
      %dma_wait3A_304 = arith.constant 0 : i32
      %dma_wait3A_305 = arith.constant 0 : i32
      %dma_wait3A_306 = tpu.memref_slice %arg6[%dma_wait3A_302, %dma_wait3A_304, %dma_wait3A_305] : memref<8x128x64xf32, #tpu.memory_space<vmem>> -> memref<1x128x64xf32, #tpu.memory_space<vmem>>
      %dma_wait3A_307 = tpu.memref_squeeze %dma_wait3A_306 : memref<1x128x64xf32, #tpu.memory_space<vmem>> -> memref<128x64xf32, #tpu.memory_space<vmem>>
      %dma_wait3A_308 = arith.constant 0 : i32
      %dma_wait3A_309 = tpu.memref_slice %arg5[%dma_wait3A_301, %dma_wait3A_308] : memref<200x128xi32, #tpu.memory_space<vmem>> -> memref<1x128xi32, #tpu.memory_space<vmem>>
      %dma_wait3A_310 = tpu.memref_squeeze %dma_wait3A_309 : memref<1x128xi32, #tpu.memory_space<vmem>> -> memref<128xi32, #tpu.memory_space<vmem>>
      %dma_wait3A_311 = arith.constant 0 : i32
      %dma_wait3A_312 = arith.constant 0 : i32
      %dma_wait3A_313 = tpu.memref_slice %arg3[%dma_wait3A_311, %dma_wait3A_312] : memref<1000000x64xf32, #tpu.memory_space<hbm>> -> memref<1000000x64xf32, #tpu.memory_space<hbm>>
      %dma_wait3A_314 = tpu.memref_slice %arg7[%dma_wait3A_303] : memref<8x!tpu.dma_semaphore, #tpu.memory_space<semaphore_mem>> -> memref<1x!tpu.dma_semaphore, #tpu.memory_space<semaphore_mem>>
      %dma_wait3A_315 = tpu.memref_squeeze %dma_wait3A_314 : memref<1x!tpu.dma_semaphore, #tpu.memory_space<semaphore_mem>> -> memref<!tpu.dma_semaphore, #tpu.memory_space<semaphore_mem>>
      tpu.wait_indirect_dma semaphore(%dma_wait3A_315 : memref<!tpu.dma_semaphore, #tpu.memory_space<semaphore_mem>>) src(%dma_wait3A_313 : memref<1000000x64xf32, #tpu.memory_space<hbm>>) dst(%dma_wait3A_307 : memref<128x64xf32, #tpu.memory_space<vmem>>)
      %run_scoped3A_316 = arith.constant 7 : i32
      "tpu.region"() ({
        %run_scoped3A_324 = tpu.sem_alloc : memref<!tpu.dma_semaphore, #tpu.memory_space<semaphore_mem>>
        %dma_start3A_325 = arith.constant 0 : i32
        %dma_start3A_326 = arith.constant 0 : i32
        %dma_start3A_327 = tpu.memref_slice %arg6[%run_scoped3A_316, %dma_start3A_325, %dma_start3A_326] : memref<8x128x64xf32, #tpu.memory_space<vmem>> -> memref<1x128x64xf32, #tpu.memory_space<vmem>>
        %dma_start3A_328 = tpu.memref_squeeze %dma_start3A_327 : memref<1x128x64xf32, #tpu.memory_space<vmem>> -> memref<128x64xf32, #tpu.memory_space<vmem>>
        %dma_start3A_329 = arith.constant 0 : i32
        %dma_start3A_330 = arith.constant 0 : i32
        %dma_start3A_331 = tpu.memref_slice %arg4[%add3A, %add3A_300, %dma_start3A_329, %dma_start3A_330] : memref<32x200x128x64xf32, #tpu.memory_space<hbm>> -> memref<1x1x128x64xf32, #tpu.memory_space<hbm>>
        %dma_start3A_332 = tpu.memref_squeeze %dma_start3A_331 : memref<1x1x128x64xf32, #tpu.memory_space<hbm>> -> memref<128x64xf32, #tpu.memory_space<hbm>>
        %dma_start3A_333 = arith.constant 0 : i32
        %dma_start3A_334 = arith.constant 0 : i32
        %dma_start3A_335 = tpu.memref_slice %arg4[%add3A, %add3A_300, %dma_start3A_333, %dma_start3A_334] : memref<32x200x128x64xf32, #tpu.memory_space<hbm>> -> memref<1x1x128x64xf32, #tpu.memory_space<hbm>>
        %dma_start3A_336 = tpu.memref_squeeze %dma_start3A_335 : memref<1x1x128x64xf32, #tpu.memory_space<hbm>> -> memref<128x64xf32, #tpu.memory_space<hbm>>
        %dma_start3A_337 = arith.constant 0 : i32
        %dma_start3A_338 = arith.constant 0 : i32
        %dma_start3A_339 = tpu.memref_slice %arg6[%run_scoped3A_316, %dma_start3A_337, %dma_start3A_338] : memref<8x128x64xf32, #tpu.memory_space<vmem>> -> memref<1x128x64xf32, #tpu.memory_space<vmem>>
        %dma_start3A_340 = tpu.memref_squeeze %dma_start3A_339 : memref<1x128x64xf32, #tpu.memory_space<vmem>> -> memref<128x64xf32, #tpu.memory_space<vmem>>
        tpu.enqueue_dma source(%dma_start3A_340 : memref<128x64xf32, #tpu.memory_space<vmem>>) target(%dma_start3A_336 : memref<128x64xf32, #tpu.memory_space<hbm>>) target_semaphore(%run_scoped3A_324 : memref<!tpu.dma_semaphore, #tpu.memory_space<semaphore_mem>>)
        %dma_wait3A_341 = arith.constant 0 : i32
        %dma_wait3A_342 = arith.constant 0 : i32
        %dma_wait3A_343 = tpu.memref_slice %arg6[%run_scoped3A_316, %dma_wait3A_341, %dma_wait3A_342] : memref<8x128x64xf32, #tpu.memory_space<vmem>> -> memref<1x128x64xf32, #tpu.memory_space<vmem>>
        %dma_wait3A_344 = tpu.memref_squeeze %dma_wait3A_343 : memref<1x128x64xf32, #tpu.memory_space<vmem>> -> memref<128x64xf32, #tpu.memory_space<vmem>>
        %dma_wait3A_345 = arith.constant 0 : i32
        %dma_wait3A_346 = arith.constant 0 : i32
        %dma_wait3A_347 = tpu.memref_slice %arg4[%add3A, %add3A_300, %dma_wait3A_345, %dma_wait3A_346] : memref<32x200x128x64xf32, #tpu.memory_space<hbm>> -> memref<1x1x128x64xf32, #tpu.memory_space<hbm>>
        %dma_wait3A_348 = tpu.memref_squeeze %dma_wait3A_347 : memref<1x1x128x64xf32, #tpu.memory_space<hbm>> -> memref<128x64xf32, #tpu.memory_space<hbm>>
        %dma_wait3A_349 = arith.constant 0 : i32
        %dma_wait3A_350 = arith.constant 0 : i32
        %dma_wait3A_351 = tpu.memref_slice %arg4[%add3A, %add3A_300, %dma_wait3A_349, %dma_wait3A_350] : memref<32x200x128x64xf32, #tpu.memory_space<hbm>> -> memref<1x1x128x64xf32, #tpu.memory_space<hbm>>
        %dma_wait3A_352 = tpu.memref_squeeze %dma_wait3A_351 : memref<1x1x128x64xf32, #tpu.memory_space<hbm>> -> memref<128x64xf32, #tpu.memory_space<hbm>>
        %dma_wait3A_353 = arith.constant 0 : i32
        %dma_wait3A_354 = arith.constant 0 : i32
        %dma_wait3A_355 = tpu.memref_slice %arg6[%run_scoped3A_316, %dma_wait3A_353, %dma_wait3A_354] : memref<8x128x64xf32, #tpu.memory_space<vmem>> -> memref<1x128x64xf32, #tpu.memory_space<vmem>>
        %dma_wait3A_356 = tpu.memref_squeeze %dma_wait3A_355 : memref<1x128x64xf32, #tpu.memory_space<vmem>> -> memref<128x64xf32, #tpu.memory_space<vmem>>
        tpu.wait_dma2 semaphore(%run_scoped3A_324 : memref<!tpu.dma_semaphore, #tpu.memory_space<semaphore_mem>>) src(%dma_wait3A_356 : memref<128x64xf32, #tpu.memory_space<vmem>>) dst(%dma_wait3A_352 : memref<128x64xf32, #tpu.memory_space<hbm>>)
        tpu.yield
      }) : () -> ()
      %add3A_317 = arith.constant 8 : i32
      %add3A_318 = arith.addi %add3A_300, %add3A_317 : i32
      %lt3A_319 = arith.constant 200 : i32
      %lt3A_320 = arith.cmpi slt, %add3A_318, %lt3A_319 : i32
      %convert_element_type3A_321 = arith.extui %lt3A_320 : i1 to i32
      %cond3A_322 = arith.constant 0 : i32
      %cond3A_323 = arith.cmpi ne, %convert_element_type3A_321, %cond3A_322 : i32
      scf.if %cond3A_323 {
        %add3A_324 = arith.constant 8 : i32
        %add3A_325 = arith.addi %add3A_300, %add3A_324 : i32
        %dma_start3A_326 = arith.constant 7 : i32
        %dma_start3A_327 = arith.constant 7 : i32
        %dma_start3A_328 = arith.constant 0 : i32
        %dma_start3A_329 = arith.constant 0 : i32
        %dma_start3A_330 = tpu.memref_slice %arg6[%dma_start3A_326, %dma_start3A_328, %dma_start3A_329] : memref<8x128x64xf32, #tpu.memory_space<vmem>> -> memref<1x128x64xf32, #tpu.memory_space<vmem>>
        %dma_start3A_331 = tpu.memref_squeeze %dma_start3A_330 : memref<1x128x64xf32, #tpu.memory_space<vmem>> -> memref<128x64xf32, #tpu.memory_space<vmem>>
        %dma_start3A_332 = arith.constant 0 : i32
        %dma_start3A_333 = tpu.memref_slice %arg5[%add3A_325, %dma_start3A_332] : memref<200x128xi32, #tpu.memory_space<vmem>> -> memref<1x128xi32, #tpu.memory_space<vmem>>
        %dma_start3A_334 = tpu.memref_squeeze %dma_start3A_333 : memref<1x128xi32, #tpu.memory_space<vmem>> -> memref<128xi32, #tpu.memory_space<vmem>>
        %dma_start3A_335 = arith.constant 0 : i32
        %dma_start3A_336 = arith.constant 0 : i32
        %dma_start3A_337 = tpu.memref_slice %arg3[%dma_start3A_335, %dma_start3A_336] : memref<1000000x64xf32, #tpu.memory_space<hbm>> -> memref<1000000x64xf32, #tpu.memory_space<hbm>>
        %dma_start3A_338 = tpu.memref_slice %arg7[%dma_start3A_327] : memref<8x!tpu.dma_semaphore, #tpu.memory_space<semaphore_mem>> -> memref<1x!tpu.dma_semaphore, #tpu.memory_space<semaphore_mem>>
        %dma_start3A_339 = tpu.memref_squeeze %dma_start3A_338 : memref<1x!tpu.dma_semaphore, #tpu.memory_space<semaphore_mem>> -> memref<!tpu.dma_semaphore, #tpu.memory_space<semaphore_mem>>
        tpu.enqueue_indirect_dma source(%dma_start3A_337 : memref<1000000x64xf32, #tpu.memory_space<hbm>>) target(%dma_start3A_331 : memref<128x64xf32, #tpu.memory_space<vmem>>) offsets(%dma_start3A_334 : memref<128xi32, #tpu.memory_space<vmem>>) semaphore(%dma_start3A_339 : memref<!tpu.dma_semaphore, #tpu.memory_space<semaphore_mem>>)
      } else {
      }
    }
    %scan3A_123 = arith.constant 25 : i32
    return
  }
}

</mosaic_0001>

<sc_bundles>
// kernel: kernel.3.cloned.1.call-start
scs
__scs_entry_jumppad:
0x0: {  	(pc) =	sbr.rel $0x88, $3  }
0x1: {  	(tag) =	ssettag $0x0;
	lr =	simm.s32 $0x1  }
0x2: {  	[smem:$0x3F9F] =	sst lr;
	_ =	strace $0xD0000000  }
0x3: {  	_ = 	snop  }
0x4: {  	_ = 	snop  }
0x5: {  	_ = 	snop  }
0x6: {  	_ = 	snop  }
0x7: {  	_ = 	snop  }
__scs_overlays_trampoline_lowered:
0x8: {  	[smem:$0x3FAE] =	sst s0  }
0x9: {  	[smem:$0x3FAF] =	sst s1  }
0xa: {  	[smem:$0x3FB0] =	sst s2  }
0xb: {  	[smem:$0x3FB1] =	sst s3  }
0xc: {  	[smem:$0x3FB2] =	sst s4  }
0xd: {  	[smem:$0x3FB3] =	sst s5  }
0xe: {  	[smem:$0x3FB4] =	sst s6  }
0xf: {  	[smem:$0x3FB5] =	sst s7  }
0x10: {  	[smem:$0x3FB6] =	sst s8  }
0x11: {  	[smem:$0x3FB7] =	sst s9;
	s0 =	simm.s32 @!p0 $0x0  }
0x12: {  	s1 =	sld [smem:$0x3F9D];
	s0 =	simm.s32 @p0 $0x1  }
0x13: {  	[smem:$0x3FB8] =	sst s0;
	s0 =	simm.s32 @!p1 $0x0  }
0x14: {  	s2 =	sld [smem:$0x3F9C];
	s0 =	simm.s32 @p1 $0x1  }
0x15: {  	[smem:$0x3FB9] =	sst s0;
	s0 =	simm.s32 @!p2 $0x0  }
0x16: {  	s3 =	sld [smem:$0x3FDB];
	s0 =	simm.s32 @p2 $0x1  }
0x17: {  	s4 =	simm.s32 $0x1BF5;
	[smem:$0x3FBB] =	sst s0  }
0x18: {  	s0 =	sld [smem:$0x3F9E];
	_ =	swait.ge [sflag:s4], $0x0  }
0x19: {  	s7 =	sld [smem:$0x3F9F]  }
0x1a: {  	s8 =	sadd.s32 $0xFFFFE003, lr  }
0x1b: {  	s9 =	sadd.s32 $0xFFFFFEF7, lr;
	s5 =	simm.s32 $0xFFFFFFFF;
	p2 =	slt.u32 s8, $0xFFFFF086  }
0x1c: {  	p1 =	slt.u32 s9, $0xF7A;
	s5 =	simm.s32 @!p2 $0x0  }
0x1d: {  	s5 =	simm.s32 @p1 $0x1;
	p0 =	seq.s32 s7, s2  }
0x1e: {  	s7 =	smul.u32 @!p0 $0xF7A, s2;
	p2 =	seq.s32 @!p0 s5, $0x0  }
0x1f: {  	s9 =	smul.u32 $0xF7A, s1;
	s8 =	simm.s32 @!p0 $0x1BF5;
	p2 =	por !p2, p0  }
0x20: {  	[sflag:s8] =	ssyncset.s32 @!p0 $0xFFFFF086;
	s6 =	sadd.s32 @!p0 s3, s7;
	s7 =	simm.s32 @!p0 $0x108  }
0x21: {  	s3 =	sadd.s32 s3, s9;
	s6 =	sadd.s32 @!p0 $0x88, s6;
	s7 =	simm.s32 @p2 $0x1082  }
0x22: {  	[simem:s7], [sflag:s8] =	dma.local @!p0 [hbm:s6], $0xF7A  }
0x23: {  	s9 =	sor.u32 $0xD0000000, s2;
	s6 =	simm.s32 $0x108;
	_ =	swait.ge @!p0 [sflag:s8], $0x0  }
0x24: {  	s3 =	sadd.s32 $0x88, s3;
	s6 =	simm.s32 @!p1 $0x1082;
	[sflag:s4] =	ssyncset.s32 $0xFFFFF086  }
0x25: {  	[simem:s6], [sflag:s4] =	dma.local [hbm:s3], $0xF7A  }
0x26: {  	[smem:$0x3F9F] =	sst s1;
	(tag) =	ssettag s2;
	_ =	strace s9  }
0x27: {  	s1 =	sld [smem:$0x3FAF]  }
0x28: {  	s2 =	sld [smem:$0x3FB0]  }
0x29: {  	s4 =	sld [smem:$0x3FB2]  }
0x2a: {  	p0 =	seq.s32 s5, $0x0;
	s5 =	sld [smem:$0x3FB3]  }
0x2b: {  	s6 =	sld [smem:$0x3FB4]  }
0x2c: {  	s7 =	sld [smem:$0x3FB5]  }
0x2d: {  	s3 =	simm.s32 $0x108;
	s8 =	sld [smem:$0x3FB6]  }
0x2e: {  	s3 =	simm.s32 @!p0 $0x1082;
	s9 =	sld [smem:$0x3FB7]  }
0x2f: {  	lr =	sadd.s32 s0, s3;
	s0 =	sld [smem:$0x3FAE]  }
0x30: {  	s3 =	sld [smem:$0x3FB1]  }
0x31: {  	[smem:$0x3FBA] =	sst s10  }
0x32: {  	s10 =	sld [smem:$0x3FB8];
	_ =	sdelay $0x3  }
0x33: {  	p0 =	seq.s32 s10, $0x1;
	s10 =	sld [smem:$0x3FBA];
	_ =	sdelay $0x3  }
0x34: {  	[smem:$0x3FBA] =	sst s10  }
0x35: {  	s10 =	sld [smem:$0x3FB9];
	_ =	sdelay $0x3  }
0x36: {  	p1 =	seq.s32 s10, $0x1;
	s10 =	sld [smem:$0x3FBA];
	_ =	sdelay $0x3  }
0x37: {  	[smem:$0x3FBA] =	sst s10  }
0x38: {  	s10 =	sld [smem:$0x3FBB]  }
0x39: {  	_ = 	snop;
	(pc) =	sbr.ind lr, $3  }
0x3a: {  	_ = 	snop  }
0x3b: {  	_ = 	snop  }
0x3c: {  	p2 =	seq.s32 s10, $0x1;
	s10 =	sld [smem:$0x3FBA]  }
0x3d: {  	_ =	shalt  }
0x3e: {  	_ =	shalt  }
0x3f: {  	_ =	shalt  }
0x40: {  	_ =	shalt  }
0x41: {  	_ =	shalt  }
0x42: {  	_ =	shalt  }
0x43: {  	_ =	shalt  }
0x44: {  	_ =	shalt  }
0x45: {  	_ =	shalt  }
0x46: {  	_ =	shalt  }
0x47: {  	_ =	shalt  }
0x48: {  	_ =	shalt  }
0x49: {  	_ =	shalt  }
0x4a: {  	_ =	shalt  }
0x4b: {  	_ =	shalt  }
0x4c: {  	_ =	shalt  }
0x4d: {  	_ =	shalt  }
0x4e: {  	_ =	shalt  }
0x4f: {  	_ =	shalt  }
0x50: {  	_ =	shalt  }
0x51: {  	_ =	shalt  }
0x52: {  	_ =	shalt  }
0x53: {  	_ =	shalt  }
0x54: {  	_ =	shalt  }
0x55: {  	_ =	shalt  }
0x56: {  	_ =	shalt  }
0x57: {  	_ =	shalt  }
0x58: {  	_ =	shalt  }
0x59: {  	_ =	shalt  }
0x5a: {  	_ =	shalt  }
0x5b: {  	_ =	shalt  }
0x5c: {  	_ =	shalt  }
0x5d: {  	_ =	shalt  }
0x5e: {  	_ =	shalt  }
0x5f: {  	_ =	shalt  }
0x60: {  	_ =	shalt  }
0x61: {  	_ =	shalt  }
0x62: {  	_ =	shalt  }
0x63: {  	_ =	shalt  }
0x64: {  	_ =	shalt  }
0x65: {  	_ =	shalt  }
0x66: {  	_ =	shalt  }
0x67: {  	_ =	shalt  }
0x68: {  	_ =	shalt  }
0x69: {  	_ =	shalt  }
0x6a: {  	_ =	shalt  }
0x6b: {  	_ =	shalt  }
0x6c: {  	_ =	shalt  }
0x6d: {  	_ =	shalt  }
0x6e: {  	_ =	shalt  }
0x6f: {  	_ =	shalt  }
0x70: {  	_ =	shalt  }
0x71: {  	_ =	shalt  }
0x72: {  	_ =	shalt  }
0x73: {  	_ =	shalt  }
0x74: {  	_ =	shalt  }
0x75: {  	_ =	shalt  }
0x76: {  	_ =	shalt  }
0x77: {  	_ =	shalt  }
0x78: {  	_ =	shalt  }
0x79: {  	_ =	shalt  }
0x7a: {  	_ =	shalt  }
0x7b: {  	_ =	shalt  }
0x7c: {  	_ =	shalt  }
0x7d: {  	_ =	shalt  }
0x7e: {  	_ =	shalt  }
0x7f: {  	_ =	shalt  }
0x80: {  	_ =	shalt  }
0x81: {  	_ =	shalt  }
0x82: {  	_ =	shalt  }
0x83: {  	_ =	shalt  }
0x84: {  	_ =	shalt  }
0x85: {  	_ =	shalt  }
0x86: {  	_ =	shalt  }
0x87: {  	_ =	shalt  }
.Lfunc_end0:
.L_simem_size_0:
called_computation.1_lowered:
.L_overlay_start_0:
0x88: {  	s2 =	sld [smem:$0x3FD9]  }
0x89: {  	s3 =	sld [smem:$0x3FFE];
	_ =	sdelay $0x1  }
0x8a: {  	s1 =	srdreg.scid  }
0x8b: {  	s0 =	sand.u32 $0x1, s1  }
0x8c: {  	s17 =	sshll.u32 s0, $0xA;
	s2 =	sadd.s32 s3, s2  }
0x8d: {  	s2 =	sadd.s32 s2, s17  }
0x8e: {  	[smem:$0x3FC6] =	sst s2  }
0x8f: {  	_ = 	snop  }
0x90: {  	s2 =	sld [smem:$0x3FD0];
	(tm) =	ssettm $0x1  }
0x91: {  	s18 =	sld [smem:$0x3FFB];
	_ =	sdelay $0x3  }
0x92: {  	_ =	strace s18  }
0x93: {  	s3 =	sld [smem:$0x3FFC];
	_ =	sdelay $0x3  }
0x94: {  	_ =	strace s3  }
0x95: {  	s3 =	sld [smem:$0x3FFD];
	_ =	sdelay $0x3  }
0x96: {  	_ =	strace s3  }
0x97: {  	_ =	strace $0x8FFFFFFF  }
0x98: {  	s19 =	sld [smem:$0x3FDB];
	_ =	sdelay $0x1  }
0x99: {  	s4 =	simm.s32 $_scs_section_size  }
0x9a: {  	s5 =	simm.s32 $_size__tile_overlayer_lowered;
	s6 =	simm.s32 $_tile_overlayer_lowered  }
0x9b: {  	s22 =	simm.s32 $0x1BFF;
	s21 =	sshll.u32 s6, $0x1;
	s3 =	sadd.s32 s4, s19  }
0x9c: {  	s7 =	simm.s32 $0x0;
	s20 =	sshll.u32 s5, $0x1;
	s5 =	sadd.s32 s21, s3  }
0x9d: {  	[timem:s7], [sflag:s22] =	dma.local [hbm:s5], s20  }
0x9e: {  	_ =	swait.ge [sflag:s22], s20  }
0x9f: {  	s4 =	ssub.s32 $0x0, s20;
	[sflag:s22] =	ssyncset.done $0x0  }
0xa0: {  	[sflag:s22] =	ssyncadd.s32 s4;
	_ =	sdelay $0x1  }
0xa1: {  	s23 =	simm.s32 $0x1B8B  }
0xa2: {  	_ =	swait.ge [sflag:s23], $0x1  }
0xa3: {  	[sflag:s23] =	ssyncset.done $0x0  }
0xa4: {  	s25 =	simm.s32 $0x1B8E;
	s24 =	sld [smem:$0x3FFE];
	[sflag:s23] =	ssyncadd.s32 $0xFFFFFFFF  }
0xa5: {  	s26 =	simm.s32 $execute0_lowered;
	[smem:$0x3FD2] =	sst s25  }
0xa6: {  	s5 =	sshll.u32 s26, $0x1;
	_ =	strace $0x80000046;
	[dreg:$0x1] =	wrdreg $0xFFFFFFFF  }
0xa7: {  	s28 =	simm.s32 $_size_execute0_lowered;
	s3 =	sadd.s32 s3, s5;
	[dreg:$0x0] =	wrdreg $0x0  }
0xa8: {  	s5 =	sshll.u32 s28, $0x1;
	[dreg:$0x2] =	wrdreg s3  }
0xa9: {  	[dreg:$0x3] =	wrdreg s5  }
0xaa: {  	[dreg:$0x4] =	wrdreg $0xC0  }
0xab: {  	_ =	task [dreg:s7], $0x5FFFF  }
0xac: {  	[dreg:$0x1] =	wrdreg $0xFFFFFFFF  }
0xad: {  	[dreg:$0x0] =	wrdreg $0x60  }
0xae: {  	[dreg:$0x2] =	wrdreg s24  }
0xaf: {  	[dreg:$0x3] =	wrdreg s2  }
0xb0: {  	[dreg:$0x4] =	wrdreg $0x9  }
0xb1: {  	_ =	task.clear_ibuf [dreg:s7], $0x5FFFF;
	_ =	strace $0x90000046  }
0xb2: {  	s29 =	simm.s32 $0x9;
	_ =	strace $0x80000048  }
0xb3: {  	_ =	swait.ge [sflag:s29], $0x1  }
0xb4: {  	[sflag:s29] =	ssyncadd.s32 $0xFFFFFFFF  }
0xb5: {  	_ =	strace $0x90000048  }
0xb6: {  	_ =	sfence  }
0xb7: {  	s30 =	sld [smem:$0x0];
	_ =	sdelay $0x2  }
0xb8: {  	s31 =	sshll.u32 s1, $0xD;
	s1 =	sshrl.u32 s1, $0x2  }
0xb9: {  	s3 =	sand.u32 $0x4000, s31;
	s1 =	sadd.s32 s1, s30  }
0xba: {  	s0 =	sor.u32 s3, s0;
	s1 =	sshll.u32 s1, $0x11  }
0xbb: {  	s0 =	sor.u32 s1, s0  }
0xbc: {  	s0 =	sadd.s32 $0x8F2B, s0  }
0xbd: {  	[sflag:s0] =	ssyncadd.remote.s32 $0x1  }
0xbe: {  	_ =	sfence.sel $0xFFFF  }
0xbf: {  	[dreg:$0x0] =	wrdreg $0xFFFFFFFF;
	(pc) =	sbr.abs _section_cstart, $3  }
0xc0: {  	[dreg:$0x1] =	wrdreg $0xFFFFFFFF  }
0xc1: {  	_ =	task.clear_ibuf [dreg:s7], $0x2FFFF;
	_ =	strace $0x9FFFFFFF  }
0xc2: {  	(tm) =	ssettm $0x7FFFFFFF  }
0xc3: {  	_ =	shalt  }
tec
execute0_lowered:
.L_overlay_start_1:
0x0: {  	(tag) =	ssettag $0x1  }
0x1: {  	s0 =	srdreg.scid;
	s3 =	rddreg [dreg:$0x0]  }
0x2: {  	s5 =	stileid.u32;
	s4 =	rddreg [dreg:$0x1]  }
0x3: {  	s2 =	simm.s32 $0x0;
	s28 =	simm.s32 $0x12400;
	s30 =	simm.s32 $0x14400  }
0x4: {  	s0 =	sand.u32 $0x1, s0;
	s1 =	sshll.u32 s5, $0x1;
	s5 =	smul.u32 $0x320000, s5  }
0x5: {  	s31 =	simm.s32 $0x1;
	s1 =	sor.u32 s0, s1;
	s6 =	smul.u32 $0x190000, s0  }
0x6: {  	[smem:$0x7FF] =	sst s2;
	s0 =	ssub.s32 $0x2, s0;
	s1 =	smul.u32 $0xC80, s1  }
0x7: {  	_ =	strace $0x80000047;
	s7 =	sshrl.u32 s0, $0x1;
	s5 =	sadd.s32 s6, s5  }
0x8: {  	s0 =	ssub.s32 s0, s7;
	s1 =	sadd.s32 s1, s3;
	s3 =	sadd.s32 $0xF42E00, s3  }
0x9: {  	s13 =	sor.u32 $0xE000, s5;
	s0 =	smax.u32 s0, $0x1;
	s15 =	sor.u32 $0xC000, s5  }
0xa: {  	s17 =	sor.u32 $0xA000, s5;
	s19 =	sor.u32 $0x8000, s5;
	s21 =	sor.u32 $0x6000, s5  }
0xb: {  	s23 =	sor.u32 $0x4000, s5;
	s25 =	sor.u32 $0x2000, s5;
	s29 =	sshrl.u32 s5, $0x3  }
0xc: {  	s5 =	simm.s32 $0x0;
	s1 =	sadd.s32 $0xA00, s1;
	[dreg:$0x4] =	wrdreg s0  }
0xd: {  	s14 =	sshrl.u32 s13, $0x3;
	s16 =	sshrl.u32 s15, $0x3;
	s18 =	sshrl.u32 s17, $0x3  }
0xe: {  	s20 =	sshrl.u32 s19, $0x3;
	s22 =	sshrl.u32 s21, $0x3;
	s24 =	sshrl.u32 s23, $0x3  }
0xf: {  	s26 =	sshrl.u32 s25, $0x3;
	s13 =	sadd.s32 s29, s4;
	s15 =	simm.s32 $0x80  }
0x10: {  	s19 =	simm.s32 $0xA400;
	s21 =	simm.s32 $0xC400;
	s23 =	simm.s32 $0xE400  }
0x11: {  	s25 =	simm.s32 $0x10400;
	s0 =	simm.s32 $0x3;
	[dreg:$0x3] =	wrdreg s1  }
.Ltmp0:
0x12: {  	s6 =	sadd.s32 s14, s4;
	s7 =	sadd.s32 s16, s4;
	(pc) =	sbr.rel .LBB2_1-.Ltmp0, $4  }
0x13: {  	s8 =	sadd.s32 s18, s4;
	s9 =	sadd.s32 s20, s4;
	s10 =	sadd.s32 s22, s4  }
0x14: {  	s11 =	sadd.s32 s24, s4;
	s12 =	sadd.s32 s26, s4;
	s14 =	simm.s32 $0x9  }
0x15: {  	s1 =	simm.s32 $0x2;
	s18 =	simm.s32 $0x4;
	s20 =	simm.s32 $0x5  }
0x16: {  	s22 =	simm.s32 $0x6;
	s24 =	simm.s32 $0x7;
	s26 =	simm.s32 $0x8  }
.LBB2_4:
0x17: {  	s5 =	rddreg [dreg:$0x5]  }
0x18: {  	s4 =	rddreg [dreg:$0x4];
	s5 =	sadd.s32 $0x1, s5  }
0x19: {  	p0 =	sne.s32 s5, s4  }
.Ltmp1:
0x1a: {  	_ = 	snop;
	(pc) =	sbr.rel @!p0 .LBB2_5-.Ltmp1, $1  }
0x1b: {  	_ =	sdelay $0x3  }
.LBB2_1:
0x1c: {  	[dreg:$0x5] =	wrdreg s5  }
0x1d: {  	s4 =	rddreg [dreg:$0x3]  }
0x1e: {  	[tilespmem:s2], [sflag:$0x9] =	stream.linear.gather [hbm4b:s4+s2], $0x6400, $0x38;
	[tilespmem:$0x16400] =	vst v63  }
0x1f: {  	_ =	swait.ge [sflag:s14], $0x6400  }
0x20: {  	[sflag:s14] =	ssyncset.done $0x0  }
0x21: {  	s5 =	simm.s32 $0x6400;
	[sflag:s14] =	ssyncadd.s32 $0xFFFF9C00  }
0x22: {  	[tilespmem:s5], [sflag:$0x1] =	stream.indirect.gather [hbm4b:s3+s15], $0x40, s2, s15, $0xb8;
	[tilespmem:$0x16400] =	vst v63  }
0x23: {  	s16 =	simm.s32 $0x8400  }
0x24: {  	[tilespmem:s16], [sflag:$0x2] =	stream.indirect.gather [hbm4b:s3+s15], $0x40, s15, s15, $0xb8;
	[tilespmem:$0x16400] =	vst v63  }
0x25: {  	s17 =	simm.s32 $0x100  }
0x26: {  	[tilespmem:s19], [sflag:$0x3] =	stream.indirect.gather [hbm4b:s3+s15], $0x40, s17, s15, $0xb8;
	[tilespmem:$0x16400] =	vst v63  }
0x27: {  	s29 =	simm.s32 $0x180  }
0x28: {  	[tilespmem:s21], [sflag:$0x4] =	stream.indirect.gather [hbm4b:s3+s15], $0x40, s29, s15, $0xb8;
	[tilespmem:$0x16400] =	vst v63  }
0x29: {  	s5 =	simm.s32 $0x200  }
0x2a: {  	[tilespmem:s23], [sflag:$0x5] =	stream.indirect.gather [hbm4b:s3+s15], $0x40, s5, s15, $0xb8;
	[tilespmem:$0x16400] =	vst v63  }
0x2b: {  	s16 =	simm.s32 $0x280  }
0x2c: {  	[tilespmem:s25], [sflag:$0x6] =	stream.indirect.gather [hbm4b:s3+s15], $0x40, s16, s15, $0xb8;
	[tilespmem:$0x16400] =	vst v63  }
0x2d: {  	s17 =	simm.s32 $0x300  }
0x2e: {  	[tilespmem:s28], [sflag:$0x7] =	stream.indirect.gather [hbm4b:s3+s15], $0x40, s17, s15, $0xb8;
	[tilespmem:$0x16400] =	vst v63  }
0x2f: {  	s4 =	simm.s32 $0x400;
	s29 =	simm.s32 $0x380;
	s5 =	simm.s32 $0x0  }
0x30: {  	[tilespmem:s30], [sflag:$0x8] =	stream.indirect.gather [hbm4b:s3+s15], $0x40, s29, s15, $0xb8;
	[tilespmem:$0x16400] =	vst v63  }
.LBB2_2:
0x31: {  	_ =	swait.ge [sflag:s31], $0x2000  }
0x32: {  	[sflag:s31] =	ssyncset.done $0x0  }
0x33: {  	s29 =	sadd.s32 s5, s13;
	s16 =	simm.s32 $0x6400;
	[sflag:s31] =	ssyncadd.s32 $0xFFFFE000  }
0x34: {  	[hbm4b:s29+s2] =	stream.linear.scatter [tilespmem:s16], [sflag:$0x9], $0x2000, $0x38;
	[tilespmem:$0x16400] =	vst v63  }
0x35: {  	_ =	swait.ge [sflag:s14], $0x2000  }
0x36: {  	p0 =	seq.s32 s5, $0x30000;
	[sflag:s14] =	ssyncset.done $0x0  }
0x37: {  	s29 =	simm.s32 @!p0 $0x80;
	s16 =	simm.s32 @!p0 $0x6400;
	[sflag:s14] =	ssyncadd.s32 $0xFFFFE000  }
0x38: {  	[tilespmem:s16], [sflag:$0x1] =	stream.indirect.gather @!p0 [hbm4b:s3+s29], $0x40, s4, s29, $0xb8;
	[tilespmem:$0x16400] =	vst v63  }
0x39: {  	_ =	swait.ge [sflag:s1], $0x2000  }
0x3a: {  	[sflag:s1] =	ssyncset.done $0x0  }
0x3b: {  	s17 =	simm.s32 $0x8400;
	s16 =	sadd.s32 s5, s12;
	[sflag:s1] =	ssyncadd.s32 $0xFFFFE000  }
0x3c: {  	[hbm4b:s16+s2] =	stream.linear.scatter [tilespmem:s17], [sflag:$0x9], $0x2000, $0x38;
	[tilespmem:$0x16400] =	vst v63  }
0x3d: {  	_ =	swait.ge [sflag:s14], $0x2000  }
0x3e: {  	[sflag:s14] =	ssyncset.done $0x0  }
0x3f: {  	s16 =	sadd.s32 @!p0 $0x80, s4;
	s17 =	simm.s32 @!p0 $0x8400;
	[sflag:s14] =	ssyncadd.s32 $0xFFFFE000  }
0x40: {  	[tilespmem:s17], [sflag:$0x2] =	stream.indirect.gather @!p0 [hbm4b:s3+s29], $0x40, s16, s29, $0xb8;
	[tilespmem:$0x16400] =	vst v63  }
0x41: {  	_ =	swait.ge [sflag:s0], $0x2000  }
0x42: {  	[sflag:s0] =	ssyncset.done $0x0  }
0x43: {  	s17 =	sadd.s32 s5, s11;
	[sflag:s0] =	ssyncadd.s32 $0xFFFFE000  }
0x44: {  	[hbm4b:s17+s2] =	stream.linear.scatter [tilespmem:s19], [sflag:$0x9], $0x2000, $0x38;
	[tilespmem:$0x16400] =	vst v63  }
0x45: {  	_ =	swait.ge [sflag:s14], $0x2000  }
0x46: {  	[sflag:s14] =	ssyncset.done $0x0  }
0x47: {  	s16 =	sadd.s32 @!p0 $0x100, s4;
	s17 =	simm.s32 @!p0 $0xA400;
	[sflag:s14] =	ssyncadd.s32 $0xFFFFE000  }
0x48: {  	[tilespmem:s17], [sflag:$0x3] =	stream.indirect.gather @!p0 [hbm4b:s3+s29], $0x40, s16, s29, $0xb8;
	[tilespmem:$0x16400] =	vst v63  }
0x49: {  	_ =	swait.ge [sflag:s18], $0x2000  }
0x4a: {  	[sflag:s18] =	ssyncset.done $0x0  }
0x4b: {  	s17 =	sadd.s32 s5, s10;
	[sflag:s18] =	ssyncadd.s32 $0xFFFFE000  }
0x4c: {  	[hbm4b:s17+s2] =	stream.linear.scatter [tilespmem:s21], [sflag:$0x9], $0x2000, $0x38;
	[tilespmem:$0x16400] =	vst v63  }
0x4d: {  	_ =	swait.ge [sflag:s14], $0x2000  }
0x4e: {  	[sflag:s14] =	ssyncset.done $0x0  }
0x4f: {  	s16 =	sadd.s32 @!p0 $0x180, s4;
	s17 =	simm.s32 @!p0 $0xC400;
	[sflag:s14] =	ssyncadd.s32 $0xFFFFE000  }
0x50: {  	[tilespmem:s17], [sflag:$0x4] =	stream.indirect.gather @!p0 [hbm4b:s3+s29], $0x40, s16, s29, $0xb8;
	[tilespmem:$0x16400] =	vst v63  }
0x51: {  	_ =	swait.ge [sflag:s20], $0x2000  }
0x52: {  	[sflag:s20] =	ssyncset.done $0x0  }
0x53: {  	s17 =	sadd.s32 s5, s9;
	[sflag:s20] =	ssyncadd.s32 $0xFFFFE000  }
0x54: {  	[hbm4b:s17+s2] =	stream.linear.scatter [tilespmem:s23], [sflag:$0x9], $0x2000, $0x38;
	[tilespmem:$0x16400] =	vst v63  }
0x55: {  	_ =	swait.ge [sflag:s14], $0x2000  }
0x56: {  	[sflag:s14] =	ssyncset.done $0x0  }
0x57: {  	s16 =	sadd.s32 @!p0 $0x200, s4;
	s17 =	simm.s32 @!p0 $0xE400;
	[sflag:s14] =	ssyncadd.s32 $0xFFFFE000  }
0x58: {  	[tilespmem:s17], [sflag:$0x5] =	stream.indirect.gather @!p0 [hbm4b:s3+s29], $0x40, s16, s29, $0xb8;
	[tilespmem:$0x16400] =	vst v63  }
0x59: {  	_ =	swait.ge [sflag:s22], $0x2000  }
0x5a: {  	[sflag:s22] =	ssyncset.done $0x0  }
0x5b: {  	s17 =	sadd.s32 s5, s8;
	[sflag:s22] =	ssyncadd.s32 $0xFFFFE000  }
0x5c: {  	[hbm4b:s17+s2] =	stream.linear.scatter [tilespmem:s25], [sflag:$0x9], $0x2000, $0x38;
	[tilespmem:$0x16400] =	vst v63  }
0x5d: {  	_ =	swait.ge [sflag:s14], $0x2000  }
0x5e: {  	[sflag:s14] =	ssyncset.done $0x0  }
0x5f: {  	s16 =	sadd.s32 @!p0 $0x280, s4;
	s17 =	simm.s32 @!p0 $0x10400;
	[sflag:s14] =	ssyncadd.s32 $0xFFFFE000  }
0x60: {  	[tilespmem:s17], [sflag:$0x6] =	stream.indirect.gather @!p0 [hbm4b:s3+s29], $0x40, s16, s29, $0xb8;
	[tilespmem:$0x16400] =	vst v63  }
0x61: {  	_ =	swait.ge [sflag:s24], $0x2000  }
0x62: {  	[sflag:s24] =	ssyncset.done $0x0  }
0x63: {  	s17 =	sadd.s32 s5, s7;
	[sflag:s24] =	ssyncadd.s32 $0xFFFFE000  }
0x64: {  	[hbm4b:s17+s2] =	stream.linear.scatter [tilespmem:s28], [sflag:$0x9], $0x2000, $0x38;
	[tilespmem:$0x16400] =	vst v63  }
0x65: {  	_ =	swait.ge [sflag:s14], $0x2000  }
0x66: {  	[sflag:s14] =	ssyncset.done $0x0  }
0x67: {  	s16 =	sadd.s32 @!p0 $0x300, s4;
	s17 =	simm.s32 @!p0 $0x12400;
	[sflag:s14] =	ssyncadd.s32 $0xFFFFE000  }
0x68: {  	[tilespmem:s17], [sflag:$0x7] =	stream.indirect.gather @!p0 [hbm4b:s3+s29], $0x40, s16, s29, $0xb8;
	[tilespmem:$0x16400] =	vst v63  }
0x69: {  	_ =	swait.ge [sflag:s26], $0x2000  }
0x6a: {  	[sflag:s26] =	ssyncset.done $0x0  }
.Ltmp2:
0x6b: {  	s29 =	sadd.s32 s5, s6;
	[sflag:s26] =	ssyncadd.s32 $0xFFFFE000;
	(pc) =	sbr.rel @p0 .LBB2_4-.Ltmp2, $4  }
0x6c: {  	[hbm4b:s29+s2] =	stream.linear.scatter [tilespmem:s30], [sflag:$0x9], $0x2000, $0x38;
	[tilespmem:$0x16400] =	vst v63  }
0x6d: {  	_ =	swait.ge [sflag:s14], $0x2000  }
0x6e: {  	[sflag:s14] =	ssyncset.done $0x0  }
0x6f: {  	[sflag:s14] =	ssyncadd.s32 $0xFFFFE000  }
.Ltmp3:
0x70: {  	(pc) =	sbr.rel .LBB2_2-.Ltmp3, $3  }
0x71: {  	_ =	sdelay $0x1  }
0x72: {  	s16 =	sadd.s32 $0x380, s4;
	s5 =	sadd.s32 $0x2000, s5;
	s4 =	sadd.s32 $0x400, s4  }
0x73: {  	[tilespmem:s30], [sflag:$0x8] =	stream.indirect.gather [hbm4b:s3+s15], $0x40, s16, s15, $0xb8;
	[tilespmem:$0x16400] =	vst v63  }
.LBB2_5:
0x74: {  	_ =	sfence.sel $0x180000  }
0x75: {  	[bflag:$0x0] =	sbarrier.arrive $0xFFFF  }
0x76: {  	_ =	strace $0x90000047  }
0x77: {  	s0 =	stileid.u32;
	[bflag:$0x2] =	sbarrier.arrive $0xFFFF  }
0x78: {  	p0 =	sne.s32 s0, $0x0;
	s0 =	rddreg [dreg:$0x2]  }
0x79: {  	s0 =	sadd.s32 @!p0 $0x100000, s0  }
0x7a: {  	[sflag:s0] =	ssyncadd.tile.s32 @!p0 $0x1;
	_ =	shalt  }
.Lfunc_end2:
_tile_overlayer_lowered:
.L_overlay_start_2:
0x7b: {  	(tag) =	ssettag $0x2  }
0x7c: {  	s0 =	rddreg [dreg:$0x0];
	s2 =	stileid.u32  }
0x7d: {  	s1 =	rddreg [dreg:$0x1];
	p0 =	sne.s32 s2, $0x0  }
0x7e: {  	s3 =	rddreg [dreg:$0x2];
	[bflag:$0x3] =	sbarrier.arrive $0xFFFF;
	s2 =	simm.s32 @!p0 $0x1C09  }
0x7f: {  	[timem:s3], [sflag:s2] =	dma.local @!p0 [hbm:s0], s1  }
0x80: {  	s0 =	simm.s32 @!p0 $0x9  }
0x81: {  	_ =	swait.ge @!p0 [sflag:s0], s1  }
0x82: {  	s1 =	ssub.s32 @!p0 $0x0, s1;
	[sflag:s0] =	ssyncset.done @!p0 $0x0  }
0x83: {  	[sflag:s0] =	ssyncadd.s32 @!p0 s1  }
0x84: {  	[bflag:$0x3] =	sbarrier.arrive $0xFFFF  }
0x85: {  	_ =	shalt  }

// kernel: sparse-core-data-format-call.cloned.1.call-start
scs
called_computation_lowered:
.L_overlay_start_0:
0x0: {  	s2 =	sld [smem:$0x3FD9]  }
0x1: {  	s3 =	sld [smem:$0x3FFE];
	_ =	sdelay $0x1  }
0x2: {  	s1 =	srdreg.scid  }
0x3: {  	s0 =	sand.u32 $0x1, s1  }
0x4: {  	s18 =	sshll.u32 s0, $0xA;
	s2 =	sadd.s32 s3, s2  }
0x5: {  	s2 =	sadd.s32 s2, s18  }
0x6: {  	[smem:$0x3FC6] =	sst s2  }
0x7: {  	_ = 	snop  }
0x8: {  	s2 =	sld [smem:$0x3FD0];
	(tm) =	ssettm $0x1  }
0x9: {  	s19 =	sld [smem:$0x3FFB];
	_ =	sdelay $0x3  }
0xa: {  	_ =	strace s19  }
0xb: {  	s3 =	sld [smem:$0x3FFC];
	_ =	sdelay $0x3  }
0xc: {  	_ =	strace s3  }
0xd: {  	s3 =	sld [smem:$0x3FFD];
	_ =	sdelay $0x3  }
0xe: {  	_ =	strace s3  }
0xf: {  	_ =	strace $0x8FFFFFFF  }
0x10: {  	s20 =	sld [smem:$0x3FDB];
	_ =	sdelay $0x1  }
0x11: {  	s4 =	simm.s32 $_scs_section_size  }
0x12: {  	s5 =	simm.s32 $_size__tile_overlayer_lowered;
	s6 =	simm.s32 $_tile_overlayer_lowered  }
0x13: {  	s23 =	simm.s32 $0x1BFF;
	s22 =	sshll.u32 s6, $0x1;
	s3 =	sadd.s32 s4, s20  }
0x14: {  	s7 =	simm.s32 $0x0;
	s21 =	sshll.u32 s5, $0x1;
	s5 =	sadd.s32 s22, s3  }
0x15: {  	[timem:s7], [sflag:s23] =	dma.local [hbm:s5], s21  }
0x16: {  	_ =	swait.ge [sflag:s23], s21  }
0x17: {  	s4 =	ssub.s32 $0x0, s21;
	[sflag:s23] =	ssyncset.done $0x0  }
0x18: {  	[sflag:s23] =	ssyncadd.s32 s4;
	_ =	sdelay $0x1  }
0x19: {  	s24 =	simm.s32 $0x1B8B  }
0x1a: {  	_ =	swait.ge [sflag:s24], $0x1  }
0x1b: {  	[sflag:s24] =	ssyncset.done $0x0  }
0x1c: {  	s26 =	simm.s32 $0x1B8E;
	s25 =	sld [smem:$0x3FFE];
	[sflag:s24] =	ssyncadd.s32 $0xFFFFFFFF  }
0x1d: {  	s27 =	simm.s32 $execute0_lowered;
	[smem:$0x3FD2] =	sst s26  }
0x1e: {  	s5 =	sshll.u32 s27, $0x1;
	_ =	strace $0x80000049;
	[dreg:$0x1] =	wrdreg $0xFFFFFFFF  }
0x1f: {  	s28 =	simm.s32 $_size_execute0_lowered;
	s3 =	sadd.s32 s3, s5;
	[dreg:$0x0] =	wrdreg $0x0  }
0x20: {  	s5 =	sshll.u32 s28, $0x1;
	[dreg:$0x2] =	wrdreg s3  }
0x21: {  	[dreg:$0x3] =	wrdreg s5  }
0x22: {  	[dreg:$0x4] =	wrdreg $0xC0  }
0x23: {  	_ =	task [dreg:s7], $0x5FFFF  }
0x24: {  	[dreg:$0x1] =	wrdreg $0xFFFFFFFF  }
0x25: {  	[dreg:$0x0] =	wrdreg $0x60  }
0x26: {  	[dreg:$0x2] =	wrdreg s25  }
0x27: {  	[dreg:$0x3] =	wrdreg s2  }
0x28: {  	[dreg:$0x4] =	wrdreg $0x9  }
0x29: {  	_ =	task.clear_ibuf [dreg:s7], $0x5FFFF;
	_ =	strace $0x90000049  }
0x2a: {  	s29 =	simm.s32 $0x9;
	_ =	strace $0x8000004B  }
0x2b: {  	_ =	swait.ge [sflag:s29], $0x1  }
0x2c: {  	[sflag:s29] =	ssyncadd.s32 $0xFFFFFFFF  }
0x2d: {  	_ =	strace $0x9000004B  }
0x2e: {  	_ =	sfence  }
0x2f: {  	s30 =	sld [smem:$0x0];
	_ =	sdelay $0x2  }
0x30: {  	s31 =	sshll.u32 s1, $0xD;
	s1 =	sshrl.u32 s1, $0x2  }
0x31: {  	s3 =	sand.u32 $0x4000, s31;
	s1 =	sadd.s32 s1, s30  }
0x32: {  	s0 =	sor.u32 s3, s0;
	s1 =	sshll.u32 s1, $0x11  }
0x33: {  	s0 =	sor.u32 s1, s0  }
0x34: {  	s0 =	sadd.s32 $0x8F2B, s0  }
0x35: {  	[sflag:s0] =	ssyncadd.remote.s32 $0x1  }
0x36: {  	_ =	sfence.sel $0xFFFF  }
0x37: {  	[dreg:$0x0] =	wrdreg $0xFFFFFFFF;
	(pc) =	sbr.abs _section_cstart, $3  }
0x38: {  	[dreg:$0x1] =	wrdreg $0xFFFFFFFF  }
0x39: {  	_ =	task.clear_ibuf [dreg:s7], $0x2FFFF;
	_ =	strace $0x9FFFFFFF  }
0x3a: {  	(tm) =	ssettm $0x7FFFFFFF  }
0x3b: {  	_ =	shalt  }
tec
execute0_lowered:
.L_overlay_start_1:
0x0: {  	(tag) =	ssettag $0x1  }
0x1: {  	s0 =	srdreg.scid  }
0x2: {  	s1 =	sshll.u32 s0, $0x4  }
0x3: {  	s0 =	stileid.u32;
	s1 =	sand.u32 $0x10, s1  }
0x4: {  	s1 =	sor.u32 s0, s1  }
0x5: {  	s6 =	rddreg [dreg:$0x0];
	s4 =	simm.s32 $0x1;
	s2 =	sshll.u32 s1, $0x7  }
0x6: {  	s7 =	simm.s32 $0x2;
	s12 =	simm.s32 $0x0;
	s1 =	ssub.s32 $0x1000, s2  }
0x7: {  	s8 =	simm.s32 $0x8000;
	s13 =	simm.s32 $0x0;
	s3 =	sand.u32 $0xF80, s1  }
0x8: {  	s9 =	simm.s32 $0x0;
	s5 =	sshrl.u32 s1, $0xC;
	p0 =	sne.s32 s3, $0x0  }
.Ltmp0:
0x9: {  	s1 =	rddreg [dreg:$0x2];
	s4 =	simm.s32 @!p0 $0x0;
	(pc) =	sbr.rel .LBB1_1-.Ltmp0, $4  }
0xa: {  	s11 =	simm.s32 $0x0;
	s3 =	rddreg [dreg:$0x1];
	s5 =	sadd.s32 s4, s5  }
0xb: {  	_ =	strace $0x8000004A;
	s4 =	simm.s32 $0x1;
	s5 =	smul.u32 $0xC8, s5  }
0xc: {  	s6 =	sadd.s32 $0xA00, s6;
	s10 =	smov.u32 s2;
	[sflag:s4] =	ssyncpa.u1 $0x0  }
0xd: {  	p0 =	por $0x0, $0x0;
	[sflag:s7] =	ssyncpa.u1 $0x0;
	s7 =	sor.u32 $0x1, s5  }
.LBB1_4:
0xe: {  	s16 =	sshll.u32 s13, $0x3;
	s17 =	sand.u32 $0x78, s13  }
0xf: {  	s30 =	sand.u32 $0x7E00, s13;
	s12 =	sshll.u32 s12, $0xF;
	s16 =	sand.u32 $0xC00, s16  }
0x10: {  	[tilespmem:s15+$0x810 ss:$0x81] =	vst.msk $0xffff, v2;
	s31 =	sand.u32 $0x7, s13;
	s16 =	sor.u32 s17, s16;
	s17 =	sadd.s32 s3, s30  }
0x11: {  	[tilespmem:s15+$0x1020 ss:$0x81] =	vst.msk $0xffff, v0;
	s13 =	sshll.u32 s31, $0x12;
	s12 =	sadd.s32 s12, s17;
	s16 =	sshrl.u32 s16, $0x3  }
0x12: {  	[tilespmem:s15+$0x0 ss:$0x81] =	vst.msk $0xffff, v1;
	s13 =	sor.u32 $0x400, s13;
	s12 =	sadd.s32 s16, s12  }
0x13: {  	[hbm4b:s12+s13] =	stream.strided.scatter [tilespmem:s14], [sflag:$0x2], $0x2000, s8, s13, $0x20;
	[tilespmem:$0x8080] =	vst v63  }
.LBB1_5:
0x14: {  	s14 =	sadd.s32 $0x1, s9  }
0x15: {  	s12 =	sadd.s32 $0x1000, s10;
	s16 =	smov.u32 s10;
	p2 =	sgt.s32 s14, $0xC7  }
0x16: {  	s16 =	smov.u32 @p2 s12  }
0x17: {  	s14 =	simm.s32 @p2 $0x0;
	p2 =	sgt.s32 s16, $0xFFF  }
0x18: {  	s16 =	smov.u32 @p2 s2;
	p2 =	sne.s32 s11, s7  }
.Ltmp1:
0x19: {  	p1 =	slt.u32 s11, $0x2;
	(pc) =	sbr.rel @!p2 .LBB1_6-.Ltmp1, $4  }
0x1a: {  	s15 =	simm.s32 @!p1 $0x2  }
0x1b: {  	s13 =	smov.u32 s10;
	p0 =	por !p0, !p0;
	_ =	swait.ge @!p1 [sflag:s15], $0x2000  }
0x1c: {  	s12 =	smov.u32 s9;
	[sflag:s15] =	ssyncset.done @!p1 $0x0;
	s9 =	smov.u32 s14  }
0x1d: {  	s11 =	sadd.s32 $0x1, s11;
	[sflag:s15] =	ssyncadd.s32 @!p1 $0xFFFFE000;
	s10 =	smov.u32 s16  }
.LBB1_1:
0x1e: {  	p1 =	sge.u32 s11, s5  }
0x1f: {  	s14 =	sand.u32 @!p1 $0x1FFFFFF, s9  }
0x20: {  	s15 =	smulhi.u32 @!p1 $0x147AE15, s14;
	_ =	sdelay $0x1  }
0x21: {  	s15 =	smul.u32 @!p1 $0xC8, s15  }
0x22: {  	s16 =	sxor.u32 @!p1 $0xFFFFFFFF, s11;
	s17 =	smul.u32 @!p1 $0xC80, s10  }
0x23: {  	s31 =	sadd.s32 $0xFFFFFFFF, s11;
	s16 =	sshll.u32 @!p1 s16, $0xD;
	s14 =	ssub.s32 @!p1 s14, s15  }
0x24: {  	s15 =	sand.u32 @!p1 $0x2000, s16;
	s16 =	sadd.s32 @!p1 s6, s17;
	s14 =	sshll.u32 @!p1 s14, $0x4  }
0x25: {  	s17 =	simm.s32 @!p1 $0x6400;
	s14 =	sadd.s32 @!p1 s14, s16;
	s16 =	simm.s32 @!p1 $0x40  }
0x26: {  	[tilespmem:s15], [sflag:$0x1] =	stream.strided.gather @!p1 [hbm4b:s14+s16], $0x2000, s17, s16, $0x38;
	[tilespmem:$0x8080] =	vst v63  }
0x27: {  	p1 =	sge.u32 s31, s5  }
.Ltmp2:
0x28: {  	_ = 	snop;
	(pc) =	sbr.rel @p1 .LBB1_5-.Ltmp2, $1  }
0x29: {  	_ =	sdelay $0x3  }
0x2a: {  	s14 =	simm.s32 $0x1  }
0x2b: {  	_ =	swait.ge [sflag:s4], $0x2000;
	s14 =	simm.s32 @!p0 $0x0  }
0x2c: {  	[sflag:s4] =	ssyncset.done $0x0;
	s15 =	sshll.u32 s14, $0xD  }
0x2d: {  	[sflag:s4] =	ssyncadd.s32 $0xFFFFE000;
	s18 =	sor.u32 $0x20, s15  }
0x2e: {  	s14 =	smul.u32 $0x8100, s14;
	v3 =	vld [tilespmem:s18+$0x10]  }
0x2f: {  	s30 =	sand.u32 $0x1, s11;
	v2 =	vld [tilespmem:s18+$0xFFFFFFF0]  }
0x30: {  	s15 =	smul.u32 $0x8100, s30;
	s14 =	sshrl.u32 s14, $0x2;
	v0 =	vld [tilespmem:s18+$0x0]  }
0x31: {  	v1 =	vld [tilespmem:s18+$0xFFFFFFE0];
	s16 =	sor.u32 $0x4000, s14  }
0x32: {  	s31 =	sshrl.u32 s15, $0x2;
	s15 =	sadd.s32 $0x0, s16  }
0x33: {  	s17 =	simm.s32 $0x4;
	s18 =	sadd.s32 $0x40, s18;
	s14 =	sor.u32 $0x4000, s31;
	[tilespmem:s15+$0x1830 ss:$0x81] =	vst.msk $0xffff, v3  }
.LBB1_3:
0x34: {  	v3 =	vld [tilespmem:s18+$0x10];
	p1 =	sne.s32 s17, $0x1FC;
	[tilespmem:s15+$0x810 ss:$0x81] =	vst.msk $0xffff, v2;
	s19 =	smov.u32 s17;
	s17 =	sadd.s32 $0x4, s17  }
.Ltmp3:
0x35: {  	v2 =	vld [tilespmem:s18+$0xFFFFFFF0];
	[tilespmem:s15+$0x1020 ss:$0x81] =	vst.msk $0xffff, v0;
	(pc) =	sbr.rel @p1 .LBB1_3-.Ltmp3, $4  }
0x36: {  	v0 =	vld [tilespmem:s18+$0x0];
	[tilespmem:s15+$0x0 ss:$0x81] =	vst.msk $0xffff, v1  }
0x37: {  	s15 =	sshra.s32 s19, $0x2;
	v1 =	vld [tilespmem:s18+$0xFFFFFFE0]  }
0x38: {  	s15 =	sadd.s32 s15, s16  }
0x39: {  	s18 =	sadd.s32 $0x40, s18;
	[tilespmem:s15+$0x1830 ss:$0x81] =	vst.msk $0xffff, v3  }
.Ltmp4:
0x3a: {  	_ = 	snop;
	(pc) =	sbr.rel .LBB1_4-.Ltmp4, $1  }
0x3b: {  	_ =	sdelay $0x3  }
.LBB1_6:
0x3c: {  	_ =	sfence.sel $0x180000  }
0x3d: {  	s2 =	simm.s32 $0x1;
	[bflag:$0x0] =	sbarrier.arrive $0xFFFF  }
0x3e: {  	s31 =	simm.s32 $0x2;
	[sflag:s2] =	ssyncpa.u1 $0x1  }
0x3f: {  	[sflag:s31] =	ssyncpa.u1 $0x1  }
0x40: {  	p0 =	sne.s32 s0, $0x0;
	_ =	strace $0x9000004A  }
0x41: {  	s0 =	sadd.s32 @!p0 $0x100000, s1;
	[bflag:$0x2] =	sbarrier.arrive $0xFFFF  }
0x42: {  	[sflag:s0] =	ssyncadd.tile.s32 @!p0 $0x1;
	_ =	shalt  }
.Lfunc_end1:
_tile_overlayer_lowered:
.L_overlay_start_2:
0x43: {  	(tag) =	ssettag $0x2  }
0x44: {  	s0 =	rddreg [dreg:$0x0];
	s2 =	stileid.u32  }
0x45: {  	s1 =	rddreg [dreg:$0x1];
	p0 =	sne.s32 s2, $0x0  }
0x46: {  	s3 =	rddreg [dreg:$0x2];
	[bflag:$0x3] =	sbarrier.arrive $0xFFFF;
	s2 =	simm.s32 @!p0 $0x1C01  }
0x47: {  	[timem:s3], [sflag:s2] =	dma.local @!p0 [hbm:s0], s1  }
0x48: {  	s0 =	simm.s32 @!p0 $0x1  }
0x49: {  	_ =	swait.ge @!p0 [sflag:s0], s1  }
0x4a: {  	s1 =	ssub.s32 @!p0 $0x0, s1;
	[sflag:s0] =	ssyncset.done @!p0 $0x0  }
0x4b: {  	[sflag:s0] =	ssyncadd.s32 @!p0 s1  }
0x4c: {  	[bflag:$0x3] =	sbarrier.arrive $0xFFFF  }
0x4d: {  	_ =	shalt  }

</sc_bundles>
